<compile_context>
chip_gen: v7x
topology: tpu7x:2x2x1
jax: 0.10.2.dev20260603
libtpu: 0.0.44.dev20260713+nightly
codegen_flags: <defaults>
</compile_context>

<pallas_src>
import functools

import jax
import jax.numpy as jnp
from jax import lax
from jax.experimental import pallas as pl
from jax.experimental.pallas import tpu as pltpu
from jax.experimental.pallas import tpu_sc as plsc

N = 100000
C = 128
ROWS = 320
TROWS = 256
NC = 2
NS = 16
NW = NC * NS
L = 16
GROUPS = ROWS // L
TGROUPS = TROWS // L
FULL = 9
BUF = ROWS * C
TBUF = TROWS * C
IDXW = FULL * ROWS + TROWS

_mesh = plsc.VectorSubcoreMesh(
    core_axis_name="c", subcore_axis_name="s", num_cores=NC, num_subcores=NS
)


@functools.partial(
    pl.kernel,
    out_type=jax.ShapeDtypeStruct((N * C,), jnp.float32),
    mesh=_mesh,
    compiler_params=pltpu.CompilerParams(needs_layout_passes=False),
    scratch_types=[
        pltpu.VMEM((IDXW,), jnp.int32),
        (pltpu.VMEM((BUF,), jnp.float32),) * 2,
        (pltpu.VMEM((ROWS,), jnp.int32),) * 2,
        pltpu.SemaphoreType.DMA,
        (pltpu.SemaphoreType.DMA,) * 2,
    ],
)
def _onehot_sc(x_hbm, out_hbm, idx_v, bufs, poss, si, sos):
    wid = lax.axis_index("s") * NC + lax.axis_index("c")
    lane = lax.iota(jnp.int32, L)
    ones = jnp.ones((L,), jnp.float32)
    zeros = jnp.zeros((L,), jnp.float32)

    start = pl.multiple_of(((wid * N // NW) >> 3) << 3, 8)
    end = pl.multiple_of((((wid + 1) * N // NW) >> 3) << 3, 8)

    pltpu.make_async_copy(
        x_hbm.at[pl.ds(start, FULL * ROWS)], idx_v.at[pl.ds(0, FULL * ROWS)], si
    ).start()
    pltpu.make_async_copy(
        x_hbm.at[pl.ds(pl.multiple_of(end - TROWS, 8), TROWS)],
        idx_v.at[pl.ds(FULL * ROWS, TROWS)],
        si,
    ).start()

    def _zero(b):
        def _seg(t, _):
            base = t * ROWS
            for u in range(ROWS // L):
                bufs[b][pl.ds(base + u * L, L)] = zeros
            return 0

        lax.fori_loop(0, BUF // ROWS, _seg, 0)

    _zero(0)

    pltpu.make_async_copy(
        x_hbm.at[pl.ds(0, FULL * ROWS)], idx_v.at[pl.ds(0, FULL * ROWS)], si
    ).wait()
    pltpu.make_async_copy(
        x_hbm.at[pl.ds(0, TROWS)], idx_v.at[pl.ds(FULL * ROWS, TROWS)], si
    ).wait()

    def _clean(b, ngroups):
        def _grp(j, _):
            p = poss[b][pl.ds(j * L, L)]
            plsc.store_scatter(bufs[b], [p], zeros)
            return 0

        lax.fori_loop(0, ngroups, _grp, 0)

    def _build(b, ibase, ngroups):
        def _grp(j, _):
            cols = idx_v[pl.ds(ibase + j * L, L)]
            pos = (j * L + lane) * C + cols
            plsc.store_scatter(bufs[b], [pos], ones)
            poss[b][pl.ds(j * L, L)] = pos
            return 0

        lax.fori_loop(0, ngroups, _grp, 0)

    def _send(b, i):
        pltpu.make_async_copy(
            bufs[b],
            out_hbm.at[pl.ds(pl.multiple_of((start + i * ROWS) * C, 8), BUF)],
            sos[b],
        ).start()

    def _slot(i, b):
        @pl.when(i >= 2)
        def _():
            pltpu.make_async_copy(
                bufs[b], out_hbm.at[pl.ds(0, BUF)], sos[b]
            ).wait()
            _clean(b, GROUPS)

        _build(b, i * ROWS, GROUPS)
        _send(b, i)

    _build(0, 0, GROUPS)
    _send(0, 0)
    _zero(1)

    def _pair(t, _):
        _slot(2 * t + 1, 1)
        _slot(2 * t + 2, 0)
        return 0

    lax.fori_loop(0, (FULL - 1) // 2, _pair, 0)

    pltpu.make_async_copy(bufs[1], out_hbm.at[pl.ds(0, BUF)], sos[1]).wait()
    _clean(1, GROUPS)
    _build(1, FULL * ROWS, TGROUPS)
    pltpu.make_async_copy(
        bufs[1].at[pl.ds(0, TBUF)],
        out_hbm.at[pl.ds(pl.multiple_of((end - TROWS) * C, 8), TBUF)],
        sos[1],
    ).start()

    pltpu.make_async_copy(bufs[0], out_hbm.at[pl.ds(0, BUF)], sos[0]).wait()
    pltpu.make_async_copy(
        bufs[1].at[pl.ds(0, TBUF)], out_hbm.at[pl.ds(0, TBUF)], sos[1]
    ).wait()


def kernel(x):
    return _onehot_sc(x).reshape(N, C)

# --- scband reference (transcript-rebuilt; emitter-appended) ---
"""Pipeline reference for scband-one-hot-atom-encoding-58033598103891 (READ-ONLY COPY).

The authoritative reference and input builder live on the scoring server;
editing this copy changes nothing except your own understanding.
"""

import jax, jax.numpy as jnp
import numpy as np

NUM_ELEMS = 128
Z_TO_IDX_SHIFT = 0  # input_is_atomic_number=False


def setup_inputs(seed: int = 0) -> dict:
    key = jax.random.key(seed)
    x = jax.random.randint(key, (100000,), 0, NUM_ELEMS, dtype=jnp.int32)
    return {"x": x}


def reference(x):
    # one_hot = F.one_hot(x - z_to_idx_shift, num_classes=num_elems).to(default_dtype)
    idx = x - Z_TO_IDX_SHIFT
    one_hot = jax.nn.one_hot(idx, NUM_ELEMS, dtype=jnp.float32)
    return one_hot

if __name__ == "__main__":
    import jax
    _d = setup_inputs()
    print(jax.jit(kernel)(*tuple(_d.values())))

</pallas_src>

<mosaic_0001>
#map = affine_map<(d0, d1) -> (0)>
module attributes {stable_mosaic.version = 14 : i64} {
  func.func @_onehot_sc(%arg0: i32, %arg1: i32, %arg2: memref<100000xi32, #tpu.memory_space<hbm>>, %arg3: memref<12800000xf32, #tpu.memory_space<hbm>>, %arg4: memref<3136xi32, #tpu.memory_space<vmem>>, %arg5: memref<40960xf32, #tpu.memory_space<vmem>>, %arg6: memref<40960xf32, #tpu.memory_space<vmem>>, %arg7: memref<320xi32, #tpu.memory_space<vmem>>, %arg8: memref<320xi32, #tpu.memory_space<vmem>>, %arg9: memref<!tpu.dma_semaphore, #tpu.memory_space<semaphore_mem>>, %arg10: memref<!tpu.dma_semaphore, #tpu.memory_space<semaphore_mem>>, %arg11: memref<!tpu.dma_semaphore, #tpu.memory_space<semaphore_mem>>) attributes {dimension_semantics = [#tpu.dimension_semantics<core_parallel>, #tpu.dimension_semantics<subcore_parallel>], iteration_bounds = array<i64: 2, 16>, scalar_prefetch = 0 : i64, scratch_operands = 8 : i64, tpu.core_type = #tpu.core_type<sc_vector_subcore>, window_params = [{transform_indices = #map}, {transform_indices = #map}]} {
    %mul3A = arith.constant 2 : i32
    %mul3A_0 = arith.muli %arg1, %mul3A : i32
    %add3A = arith.addi %mul3A_0, %arg0 : i32
    %iota3A = tpu.iota {dimensions = array<i32: 0>} : vector<16xi32>
    %broadcast_in_dim3A = arith.constant 1.000000e+00 : f32
    %broadcast_in_dim3A_1 = vector.broadcast %broadcast_in_dim3A : f32 to vector<16xf32>
    %broadcast_in_dim3A_2 = arith.constant 0.000000e+00 : f32
    %broadcast_in_dim3A_3 = vector.broadcast %broadcast_in_dim3A_2 : f32 to vector<16xf32>
    %mul3A_4 = arith.constant 100000 : i32
    %mul3A_5 = arith.muli %add3A, %mul3A_4 : i32
    %jit3A = arith.constant 32 : i32
    %div3A = arith.divsi %mul3A_5, %jit3A : i32
    %sign3A = arith.constant 0 : i32
    %sign3A_6 = arith.cmpi sgt, %mul3A_5, %sign3A : i32
    %sign3A_7 = arith.extui %sign3A_6 : i1 to i32
    %sign3A_8 = arith.constant 0 : i32
    %sign3A_9 = arith.cmpi slt, %mul3A_5, %sign3A_8 : i32
    %sign3A_10 = arith.extui %sign3A_9 : i1 to i32
    %sign3A_11 = arith.subi %sign3A_7, %sign3A_10 : i32
    %sign3A_12 = arith.constant 0 : i32
    %sign3A_13 = arith.cmpi sgt, %jit3A, %sign3A_12 : i32
    %sign3A_14 = arith.extui %sign3A_13 : i1 to i32
    %sign3A_15 = arith.constant 0 : i32
    %sign3A_16 = arith.cmpi slt, %jit3A, %sign3A_15 : i32
    %sign3A_17 = arith.extui %sign3A_16 : i1 to i32
    %sign3A_18 = arith.subi %sign3A_14, %sign3A_17 : i32
    %ne3A = arith.cmpi ne, %sign3A_11, %sign3A_18 : i32
    %rem3A = arith.remsi %mul3A_5, %jit3A : i32
    %ne3A_19 = arith.constant 0 : i32
    %ne3A_20 = arith.cmpi ne, %rem3A, %ne3A_19 : i32
    %and3A = arith.andi %ne3A, %ne3A_20 : i1
    %sub3A = arith.constant 1 : i32
    %sub3A_21 = arith.subi %div3A, %sub3A : i32
    %select_n3A = arith.select %and3A, %sub3A_21, %div3A : i32
    %shift_right_arithmetic3A = arith.constant 3 : i32
    %shift_right_arithmetic3A_22 = arith.shrsi %select_n3A, %shift_right_arithmetic3A : i32
    %shift_left3A = arith.constant 3 : i32
    %shift_left3A_23 = arith.shli %shift_right_arithmetic3A_22, %shift_left3A : i32
    %multiple_of3A = tpu.assume_multiple %shift_left3A_23, 8 : i32
    %add3A_24 = arith.constant 1 : i32
    %add3A_25 = arith.addi %add3A, %add3A_24 : i32
    %mul3A_26 = arith.constant 100000 : i32
    %mul3A_27 = arith.muli %add3A_25, %mul3A_26 : i32
    %jit3A_28 = arith.constant 32 : i32
    %div3A_29 = arith.divsi %mul3A_27, %jit3A_28 : i32
    %sign3A_30 = arith.constant 0 : i32
    %sign3A_31 = arith.cmpi sgt, %mul3A_27, %sign3A_30 : i32
    %sign3A_32 = arith.extui %sign3A_31 : i1 to i32
    %sign3A_33 = arith.constant 0 : i32
    %sign3A_34 = arith.cmpi slt, %mul3A_27, %sign3A_33 : i32
    %sign3A_35 = arith.extui %sign3A_34 : i1 to i32
    %sign3A_36 = arith.subi %sign3A_32, %sign3A_35 : i32
    %sign3A_37 = arith.constant 0 : i32
    %sign3A_38 = arith.cmpi sgt, %jit3A_28, %sign3A_37 : i32
    %sign3A_39 = arith.extui %sign3A_38 : i1 to i32
    %sign3A_40 = arith.constant 0 : i32
    %sign3A_41 = arith.cmpi slt, %jit3A_28, %sign3A_40 : i32
    %sign3A_42 = arith.extui %sign3A_41 : i1 to i32
    %sign3A_43 = arith.subi %sign3A_39, %sign3A_42 : i32
    %ne3A_44 = arith.cmpi ne, %sign3A_36, %sign3A_43 : i32
    %rem3A_45 = arith.remsi %mul3A_27, %jit3A_28 : i32
    %ne3A_46 = arith.constant 0 : i32
    %ne3A_47 = arith.cmpi ne, %rem3A_45, %ne3A_46 : i32
    %and3A_48 = arith.andi %ne3A_44, %ne3A_47 : i1
    %sub3A_49 = arith.constant 1 : i32
    %sub3A_50 = arith.subi %div3A_29, %sub3A_49 : i32
    %select_n3A_51 = arith.select %and3A_48, %sub3A_50, %div3A_29 : i32
    %shift_right_arithmetic3A_52 = arith.constant 3 : i32
    %shift_right_arithmetic3A_53 = arith.shrsi %select_n3A_51, %shift_right_arithmetic3A_52 : i32
    %shift_left3A_54 = arith.constant 3 : i32
    %shift_left3A_55 = arith.shli %shift_right_arithmetic3A_53, %shift_left3A_54 : i32
    %multiple_of3A_56 = tpu.assume_multiple %shift_left3A_55, 8 : i32
    %dma_start3A = arith.constant 0 : i32
    %dma_start3A_57 = tpu.memref_slice %arg4[%dma_start3A] : memref<3136xi32, #tpu.memory_space<vmem>> -> memref<2880xi32, #tpu.memory_space<vmem>>
    %dma_start3A_58 = tpu.memref_slice %arg2[%multiple_of3A] : memref<100000xi32, #tpu.memory_space<hbm>> -> memref<2880xi32, #tpu.memory_space<hbm>>
    %dma_start3A_59 = arith.constant 0 : i32
    %dma_start3A_60 = tpu.memref_slice %arg4[%dma_start3A_59] : memref<3136xi32, #tpu.memory_space<vmem>> -> memref<2880xi32, #tpu.memory_space<vmem>>
    %dma_start3A_61 = tpu.memref_slice %arg2[%multiple_of3A] : memref<100000xi32, #tpu.memory_space<hbm>> -> memref<2880xi32, #tpu.memory_space<hbm>>
    tpu.enqueue_dma source(%dma_start3A_61 : memref<2880xi32, #tpu.memory_space<hbm>>) target(%dma_start3A_60 : memref<2880xi32, #tpu.memory_space<vmem>>) target_semaphore(%arg9 : memref<!tpu.dma_semaphore, #tpu.memory_space<semaphore_mem>>)
    %sub3A_62 = arith.constant 256 : i32
    %sub3A_63 = arith.subi %multiple_of3A_56, %sub3A_62 : i32
    %multiple_of3A_64 = tpu.assume_multiple %sub3A_63, 8 : i32
    %dma_start3A_65 = arith.constant 2880 : i32
    %dma_start3A_66 = tpu.memref_slice %arg4[%dma_start3A_65] : memref<3136xi32, #tpu.memory_space<vmem>> -> memref<256xi32, #tpu.memory_space<vmem>>
    %dma_start3A_67 = tpu.memref_slice %arg2[%multiple_of3A_64] : memref<100000xi32, #tpu.memory_space<hbm>> -> memref<256xi32, #tpu.memory_space<hbm>>
    %dma_start3A_68 = arith.constant 2880 : i32
    %dma_start3A_69 = tpu.memref_slice %arg4[%dma_start3A_68] : memref<3136xi32, #tpu.memory_space<vmem>> -> memref<256xi32, #tpu.memory_space<vmem>>
    %dma_start3A_70 = tpu.memref_slice %arg2[%multiple_of3A_64] : memref<100000xi32, #tpu.memory_space<hbm>> -> memref<256xi32, #tpu.memory_space<hbm>>
    tpu.enqueue_dma source(%dma_start3A_70 : memref<256xi32, #tpu.memory_space<hbm>>) target(%dma_start3A_69 : memref<256xi32, #tpu.memory_space<vmem>>) target_semaphore(%arg9 : memref<!tpu.dma_semaphore, #tpu.memory_space<semaphore_mem>>)
    %scan3A = arith.constant 0 : i32
    %scan3A_71 = arith.constant 0 : i32
    %scan3A_72 = arith.constant 128 : i32
    %scan3A_73 = arith.addi %scan3A_71, %scan3A_72 : i32
    %scan3A_74 = arith.constant 1 : i32
    %scan3A_75 = scf.for %scan3A_161 = %scan3A_71 to %scan3A_73 step %scan3A_74 iter_args(%scan3A_162 = %scan3A) -> (i32)  : i32 {
      %mul3A_163 = arith.constant 320 : i32
      %mul3A_164 = arith.muli %scan3A_161, %mul3A_163 : i32
      %add3A_165 = arith.constant 0 : i32
      %add3A_166 = arith.addi %mul3A_164, %add3A_165 : i32
      %swap3A = arith.index_cast %add3A_166 : i32 to index
      %swap3A_167 = tpu.vector_load %arg5[%swap3A] {strides = array<i32>} : memref<40960xf32, #tpu.memory_space<vmem>>, vector<16xf32>,
      tpu.vector_store %arg5[%swap3A], %broadcast_in_dim3A_3 {strides = array<i32>} : memref<40960xf32, #tpu.memory_space<vmem>>, vector<16xf32>,
      %add3A_168 = arith.constant 16 : i32
      %add3A_169 = arith.addi %mul3A_164, %add3A_168 : i32
      %swap3A_170 = arith.index_cast %add3A_169 : i32 to index
      %swap3A_171 = tpu.vector_load %arg5[%swap3A_170] {strides = array<i32>} : memref<40960xf32, #tpu.memory_space<vmem>>, vector<16xf32>,
      tpu.vector_store %arg5[%swap3A_170], %broadcast_in_dim3A_3 {strides = array<i32>} : memref<40960xf32, #tpu.memory_space<vmem>>, vector<16xf32>,
      %add3A_172 = arith.constant 32 : i32
      %add3A_173 = arith.addi %mul3A_164, %add3A_172 : i32
      %swap3A_174 = arith.index_cast %add3A_173 : i32 to index
      %swap3A_175 = tpu.vector_load %arg5[%swap3A_174] {strides = array<i32>} : memref<40960xf32, #tpu.memory_space<vmem>>, vector<16xf32>,
      tpu.vector_store %arg5[%swap3A_174], %broadcast_in_dim3A_3 {strides = array<i32>} : memref<40960xf32, #tpu.memory_space<vmem>>, vector<16xf32>,
      %add3A_176 = arith.constant 48 : i32
      %add3A_177 = arith.addi %mul3A_164, %add3A_176 : i32
      %swap3A_178 = arith.index_cast %add3A_177 : i32 to index
      %swap3A_179 = tpu.vector_load %arg5[%swap3A_178] {strides = array<i32>} : memref<40960xf32, #tpu.memory_space<vmem>>, vector<16xf32>,
      tpu.vector_store %arg5[%swap3A_178], %broadcast_in_dim3A_3 {strides = array<i32>} : memref<40960xf32, #tpu.memory_space<vmem>>, vector<16xf32>,
      %add3A_180 = arith.constant 64 : i32
      %add3A_181 = arith.addi %mul3A_164, %add3A_180 : i32
      %swap3A_182 = arith.index_cast %add3A_181 : i32 to index
      %swap3A_183 = tpu.vector_load %arg5[%swap3A_182] {strides = array<i32>} : memref<40960xf32, #tpu.memory_space<vmem>>, vector<16xf32>,
      tpu.vector_store %arg5[%swap3A_182], %broadcast_in_dim3A_3 {strides = array<i32>} : memref<40960xf32, #tpu.memory_space<vmem>>, vector<16xf32>,
      %add3A_184 = arith.constant 80 : i32
      %add3A_185 = arith.addi %mul3A_164, %add3A_184 : i32
      %swap3A_186 = arith.index_cast %add3A_185 : i32 to index
      %swap3A_187 = tpu.vector_load %arg5[%swap3A_186] {strides = array<i32>} : memref<40960xf32, #tpu.memory_space<vmem>>, vector<16xf32>,
      tpu.vector_store %arg5[%swap3A_186], %broadcast_in_dim3A_3 {strides = array<i32>} : memref<40960xf32, #tpu.memory_space<vmem>>, vector<16xf32>,
      %add3A_188 = arith.constant 96 : i32
      %add3A_189 = arith.addi %mul3A_164, %add3A_188 : i32
      %swap3A_190 = arith.index_cast %add3A_189 : i32 to index
      %swap3A_191 = tpu.vector_load %arg5[%swap3A_190] {strides = array<i32>} : memref<40960xf32, #tpu.memory_space<vmem>>, vector<16xf32>,
      tpu.vector_store %arg5[%swap3A_190], %broadcast_in_dim3A_3 {strides = array<i32>} : memref<40960xf32, #tpu.memory_space<vmem>>, vector<16xf32>,
      %add3A_192 = arith.constant 112 : i32
      %add3A_193 = arith.addi %mul3A_164, %add3A_192 : i32
      %swap3A_194 = arith.index_cast %add3A_193 : i32 to index
      %swap3A_195 = tpu.vector_load %arg5[%swap3A_194] {strides = array<i32>} : memref<40960xf32, #tpu.memory_space<vmem>>, vector<16xf32>,
      tpu.vector_store %arg5[%swap3A_194], %broadcast_in_dim3A_3 {strides = array<i32>} : memref<40960xf32, #tpu.memory_space<vmem>>, vector<16xf32>,
      %add3A_196 = arith.constant 128 : i32
      %add3A_197 = arith.addi %mul3A_164, %add3A_196 : i32
      %swap3A_198 = arith.index_cast %add3A_197 : i32 to index
      %swap3A_199 = tpu.vector_load %arg5[%swap3A_198] {strides = array<i32>} : memref<40960xf32, #tpu.memory_space<vmem>>, vector<16xf32>,
      tpu.vector_store %arg5[%swap3A_198], %broadcast_in_dim3A_3 {strides = array<i32>} : memref<40960xf32, #tpu.memory_space<vmem>>, vector<16xf32>,
      %add3A_200 = arith.constant 144 : i32
      %add3A_201 = arith.addi %mul3A_164, %add3A_200 : i32
      %swap3A_202 = arith.index_cast %add3A_201 : i32 to index
      %swap3A_203 = tpu.vector_load %arg5[%swap3A_202] {strides = array<i32>} : memref<40960xf32, #tpu.memory_space<vmem>>, vector<16xf32>,
      tpu.vector_store %arg5[%swap3A_202], %broadcast_in_dim3A_3 {strides = array<i32>} : memref<40960xf32, #tpu.memory_space<vmem>>, vector<16xf32>,
      %add3A_204 = arith.constant 160 : i32
      %add3A_205 = arith.addi %mul3A_164, %add3A_204 : i32
      %swap3A_206 = arith.index_cast %add3A_205 : i32 to index
      %swap3A_207 = tpu.vector_load %arg5[%swap3A_206] {strides = array<i32>} : memref<40960xf32, #tpu.memory_space<vmem>>, vector<16xf32>,
      tpu.vector_store %arg5[%swap3A_206], %broadcast_in_dim3A_3 {strides = array<i32>} : memref<40960xf32, #tpu.memory_space<vmem>>, vector<16xf32>,
      %add3A_208 = arith.constant 176 : i32
      %add3A_209 = arith.addi %mul3A_164, %add3A_208 : i32
      %swap3A_210 = arith.index_cast %add3A_209 : i32 to index
      %swap3A_211 = tpu.vector_load %arg5[%swap3A_210] {strides = array<i32>} : memref<40960xf32, #tpu.memory_space<vmem>>, vector<16xf32>,
      tpu.vector_store %arg5[%swap3A_210], %broadcast_in_dim3A_3 {strides = array<i32>} : memref<40960xf32, #tpu.memory_space<vmem>>, vector<16xf32>,
      %add3A_212 = arith.constant 192 : i32
      %add3A_213 = arith.addi %mul3A_164, %add3A_212 : i32
      %swap3A_214 = arith.index_cast %add3A_213 : i32 to index
      %swap3A_215 = tpu.vector_load %arg5[%swap3A_214] {strides = array<i32>} : memref<40960xf32, #tpu.memory_space<vmem>>, vector<16xf32>,
      tpu.vector_store %arg5[%swap3A_214], %broadcast_in_dim3A_3 {strides = array<i32>} : memref<40960xf32, #tpu.memory_space<vmem>>, vector<16xf32>,
      %add3A_216 = arith.constant 208 : i32
      %add3A_217 = arith.addi %mul3A_164, %add3A_216 : i32
      %swap3A_218 = arith.index_cast %add3A_217 : i32 to index
      %swap3A_219 = tpu.vector_load %arg5[%swap3A_218] {strides = array<i32>} : memref<40960xf32, #tpu.memory_space<vmem>>, vector<16xf32>,
      tpu.vector_store %arg5[%swap3A_218], %broadcast_in_dim3A_3 {strides = array<i32>} : memref<40960xf32, #tpu.memory_space<vmem>>, vector<16xf32>,
      %add3A_220 = arith.constant 224 : i32
      %add3A_221 = arith.addi %mul3A_164, %add3A_220 : i32
      %swap3A_222 = arith.index_cast %add3A_221 : i32 to index
      %swap3A_223 = tpu.vector_load %arg5[%swap3A_222] {strides = array<i32>} : memref<40960xf32, #tpu.memory_space<vmem>>, vector<16xf32>,
      tpu.vector_store %arg5[%swap3A_222], %broadcast_in_dim3A_3 {strides = array<i32>} : memref<40960xf32, #tpu.memory_space<vmem>>, vector<16xf32>,
      %add3A_224 = arith.constant 240 : i32
      %add3A_225 = arith.addi %mul3A_164, %add3A_224 : i32
      %swap3A_226 = arith.index_cast %add3A_225 : i32 to index
      %swap3A_227 = tpu.vector_load %arg5[%swap3A_226] {strides = array<i32>} : memref<40960xf32, #tpu.memory_space<vmem>>, vector<16xf32>,
      tpu.vector_store %arg5[%swap3A_226], %broadcast_in_dim3A_3 {strides = array<i32>} : memref<40960xf32, #tpu.memory_space<vmem>>, vector<16xf32>,
      %add3A_228 = arith.constant 256 : i32
      %add3A_229 = arith.addi %mul3A_164, %add3A_228 : i32
      %swap3A_230 = arith.index_cast %add3A_229 : i32 to index
      %swap3A_231 = tpu.vector_load %arg5[%swap3A_230] {strides = array<i32>} : memref<40960xf32, #tpu.memory_space<vmem>>, vector<16xf32>,
      tpu.vector_store %arg5[%swap3A_230], %broadcast_in_dim3A_3 {strides = array<i32>} : memref<40960xf32, #tpu.memory_space<vmem>>, vector<16xf32>,
      %add3A_232 = arith.constant 272 : i32
      %add3A_233 = arith.addi %mul3A_164, %add3A_232 : i32
      %swap3A_234 = arith.index_cast %add3A_233 : i32 to index
      %swap3A_235 = tpu.vector_load %arg5[%swap3A_234] {strides = array<i32>} : memref<40960xf32, #tpu.memory_space<vmem>>, vector<16xf32>,
      tpu.vector_store %arg5[%swap3A_234], %broadcast_in_dim3A_3 {strides = array<i32>} : memref<40960xf32, #tpu.memory_space<vmem>>, vector<16xf32>,
      %add3A_236 = arith.constant 288 : i32
      %add3A_237 = arith.addi %mul3A_164, %add3A_236 : i32
      %swap3A_238 = arith.index_cast %add3A_237 : i32 to index
      %swap3A_239 = tpu.vector_load %arg5[%swap3A_238] {strides = array<i32>} : memref<40960xf32, #tpu.memory_space<vmem>>, vector<16xf32>,
      tpu.vector_store %arg5[%swap3A_238], %broadcast_in_dim3A_3 {strides = array<i32>} : memref<40960xf32, #tpu.memory_space<vmem>>, vector<16xf32>,
      %add3A_240 = arith.constant 304 : i32
      %add3A_241 = arith.addi %mul3A_164, %add3A_240 : i32
      %swap3A_242 = arith.index_cast %add3A_241 : i32 to index
      %swap3A_243 = tpu.vector_load %arg5[%swap3A_242] {strides = array<i32>} : memref<40960xf32, #tpu.memory_space<vmem>>, vector<16xf32>,
      tpu.vector_store %arg5[%swap3A_242], %broadcast_in_dim3A_3 {strides = array<i32>} : memref<40960xf32, #tpu.memory_space<vmem>>, vector<16xf32>,
      %scan3A_244 = arith.constant 0 : i32
      scf.yield %scan3A_244 : i32
    }
    %scan3A_76 = arith.constant 128 : i32
    %dma_wait3A = arith.constant 0 : i32
    %dma_wait3A_77 = tpu.memref_slice %arg4[%dma_wait3A] : memref<3136xi32, #tpu.memory_space<vmem>> -> memref<2880xi32, #tpu.memory_space<vmem>>
    %dma_wait3A_78 = arith.constant 0 : i32
    %dma_wait3A_79 = tpu.memref_slice %arg2[%dma_wait3A_78] : memref<100000xi32, #tpu.memory_space<hbm>> -> memref<2880xi32, #tpu.memory_space<hbm>>
    %dma_wait3A_80 = arith.constant 0 : i32
    %dma_wait3A_81 = tpu.memref_slice %arg4[%dma_wait3A_80] : memref<3136xi32, #tpu.memory_space<vmem>> -> memref<2880xi32, #tpu.memory_space<vmem>>
    %dma_wait3A_82 = arith.constant 0 : i32
    %dma_wait3A_83 = tpu.memref_slice %arg2[%dma_wait3A_82] : memref<100000xi32, #tpu.memory_space<hbm>> -> memref<2880xi32, #tpu.memory_space<hbm>>
    tpu.wait_dma2 semaphore(%arg9 : memref<!tpu.dma_semaphore, #tpu.memory_space<semaphore_mem>>) src(%dma_wait3A_83 : memref<2880xi32, #tpu.memory_space<hbm>>) dst(%dma_wait3A_81 : memref<2880xi32, #tpu.memory_space<vmem>>)
    %dma_wait3A_84 = arith.constant 2880 : i32
    %dma_wait3A_85 = tpu.memref_slice %arg4[%dma_wait3A_84] : memref<3136xi32, #tpu.memory_space<vmem>> -> memref<256xi32, #tpu.memory_space<vmem>>
    %dma_wait3A_86 = arith.constant 0 : i32
    %dma_wait3A_87 = tpu.memref_slice %arg2[%dma_wait3A_86] : memref<100000xi32, #tpu.memory_space<hbm>> -> memref<256xi32, #tpu.memory_space<hbm>>
    %dma_wait3A_88 = arith.constant 2880 : i32
    %dma_wait3A_89 = tpu.memref_slice %arg4[%dma_wait3A_88] : memref<3136xi32, #tpu.memory_space<vmem>> -> memref<256xi32, #tpu.memory_space<vmem>>
    %dma_wait3A_90 = arith.constant 0 : i32
    %dma_wait3A_91 = tpu.memref_slice %arg2[%dma_wait3A_90] : memref<100000xi32, #tpu.memory_space<hbm>> -> memref<256xi32, #tpu.memory_space<hbm>>
    tpu.wait_dma2 semaphore(%arg9 : memref<!tpu.dma_semaphore, #tpu.memory_space<semaphore_mem>>) src(%dma_wait3A_91 : memref<256xi32, #tpu.memory_space<hbm>>) dst(%dma_wait3A_89 : memref<256xi32, #tpu.memory_space<vmem>>)
    %scan3A_92 = arith.constant 0 : i32
    %scan3A_93 = arith.constant 0 : i32
    %scan3A_94 = arith.constant 20 : i32
    %scan3A_95 = arith.addi %scan3A_93, %scan3A_94 : i32
    %scan3A_96 = arith.constant 1 : i32
    %scan3A_97 = scf.for %scan3A_161 = %scan3A_93 to %scan3A_95 step %scan3A_96 iter_args(%scan3A_162 = %scan3A_92) -> (i32)  : i32 {
      %mul3A_163 = arith.constant 16 : i32
      %mul3A_164 = arith.muli %scan3A_161, %mul3A_163 : i32
      %add3A_165 = arith.constant 0 : i32
      %add3A_166 = arith.addi %add3A_165, %mul3A_164 : i32
      %get3A = arith.index_cast %add3A_166 : i32 to index
      %get3A_167 = tpu.vector_load %arg4[%get3A] {strides = array<i32>} : memref<3136xi32, #tpu.memory_space<vmem>>, vector<16xi32>,
      %mul3A_168 = arith.constant 16 : i32
      %mul3A_169 = arith.muli %scan3A_161, %mul3A_168 : i32
      %add3A_170 = vector.broadcast %mul3A_169 : i32 to vector<16xi32>
      %add3A_171 = arith.addi %add3A_170, %iota3A : vector<16xi32>
      %mul3A_172 = arith.constant 128 : i32
      %mul3A_173 = vector.broadcast %mul3A_172 : i32 to vector<16xi32>
      %mul3A_174 = arith.muli %add3A_171, %mul3A_173 : vector<16xi32>
      %add3A_175 = arith.addi %mul3A_174, %get3A_167 : vector<16xi32>
      tpu.vector_store_idx %arg5[%add3A_175], %broadcast_in_dim3A_1 : memref<40960xf32, #tpu.memory_space<vmem>>[vector<16xi32>], vector<16xf32>,
      %mul3A_176 = arith.constant 16 : i32
      %mul3A_177 = arith.muli %scan3A_161, %mul3A_176 : i32
      %swap3A = arith.index_cast %mul3A_177 : i32 to index
      %swap3A_178 = tpu.vector_load %arg7[%swap3A] {strides = array<i32>} : memref<320xi32, #tpu.memory_space<vmem>>, vector<16xi32>,
      tpu.vector_store %arg7[%swap3A], %add3A_175 {strides = array<i32>} : memref<320xi32, #tpu.memory_space<vmem>>, vector<16xi32>,
      %scan3A_179 = arith.constant 0 : i32
      scf.yield %scan3A_179 : i32
    }
    %scan3A_98 = arith.constant 20 : i32
    %add3A_99 = arith.constant 0 : i32
    %add3A_100 = arith.addi %multiple_of3A, %add3A_99 : i32
    %mul3A_101 = arith.constant 128 : i32
    %mul3A_102 = arith.muli %add3A_100, %mul3A_101 : i32
    %multiple_of3A_103 = tpu.assume_multiple %mul3A_102, 8 : i32
    %dma_start3A_104 = tpu.memref_slice %arg3[%multiple_of3A_103] : memref<12800000xf32, #tpu.memory_space<hbm>> -> memref<40960xf32, #tpu.memory_space<hbm>>
    %dma_start3A_105 = tpu.memref_slice %arg3[%multiple_of3A_103] : memref<12800000xf32, #tpu.memory_space<hbm>> -> memref<40960xf32, #tpu.memory_space<hbm>>
    tpu.enqueue_dma source(%arg5 : memref<40960xf32, #tpu.memory_space<vmem>>) target(%dma_start3A_105 : memref<40960xf32, #tpu.memory_space<hbm>>) target_semaphore(%arg10 : memref<!tpu.dma_semaphore, #tpu.memory_space<semaphore_mem>>)
    %scan3A_106 = arith.constant 0 : i32
    %scan3A_107 = arith.constant 0 : i32
    %scan3A_108 = arith.constant 128 : i32
    %scan3A_109 = arith.addi %scan3A_107, %scan3A_108 : i32
    %scan3A_110 = arith.constant 1 : i32
    %scan3A_111 = scf.for %scan3A_161 = %scan3A_107 to %scan3A_109 step %scan3A_110 iter_args(%scan3A_162 = %scan3A_106) -> (i32)  : i32 {
      %mul3A_163 = arith.constant 320 : i32
      %mul3A_164 = arith.muli %scan3A_161, %mul3A_163 : i32
      %add3A_165 = arith.constant 0 : i32
      %add3A_166 = arith.addi %mul3A_164, %add3A_165 : i32
      %swap3A = arith.index_cast %add3A_166 : i32 to index
      %swap3A_167 = tpu.vector_load %arg6[%swap3A] {strides = array<i32>} : memref<40960xf32, #tpu.memory_space<vmem>>, vector<16xf32>,
      tpu.vector_store %arg6[%swap3A], %broadcast_in_dim3A_3 {strides = array<i32>} : memref<40960xf32, #tpu.memory_space<vmem>>, vector<16xf32>,
      %add3A_168 = arith.constant 16 : i32
      %add3A_169 = arith.addi %mul3A_164, %add3A_168 : i32
      %swap3A_170 = arith.index_cast %add3A_169 : i32 to index
      %swap3A_171 = tpu.vector_load %arg6[%swap3A_170] {strides = array<i32>} : memref<40960xf32, #tpu.memory_space<vmem>>, vector<16xf32>,
      tpu.vector_store %arg6[%swap3A_170], %broadcast_in_dim3A_3 {strides = array<i32>} : memref<40960xf32, #tpu.memory_space<vmem>>, vector<16xf32>,
      %add3A_172 = arith.constant 32 : i32
      %add3A_173 = arith.addi %mul3A_164, %add3A_172 : i32
      %swap3A_174 = arith.index_cast %add3A_173 : i32 to index
      %swap3A_175 = tpu.vector_load %arg6[%swap3A_174] {strides = array<i32>} : memref<40960xf32, #tpu.memory_space<vmem>>, vector<16xf32>,
      tpu.vector_store %arg6[%swap3A_174], %broadcast_in_dim3A_3 {strides = array<i32>} : memref<40960xf32, #tpu.memory_space<vmem>>, vector<16xf32>,
      %add3A_176 = arith.constant 48 : i32
      %add3A_177 = arith.addi %mul3A_164, %add3A_176 : i32
      %swap3A_178 = arith.index_cast %add3A_177 : i32 to index
      %swap3A_179 = tpu.vector_load %arg6[%swap3A_178] {strides = array<i32>} : memref<40960xf32, #tpu.memory_space<vmem>>, vector<16xf32>,
      tpu.vector_store %arg6[%swap3A_178], %broadcast_in_dim3A_3 {strides = array<i32>} : memref<40960xf32, #tpu.memory_space<vmem>>, vector<16xf32>,
      %add3A_180 = arith.constant 64 : i32
      %add3A_181 = arith.addi %mul3A_164, %add3A_180 : i32
      %swap3A_182 = arith.index_cast %add3A_181 : i32 to index
      %swap3A_183 = tpu.vector_load %arg6[%swap3A_182] {strides = array<i32>} : memref<40960xf32, #tpu.memory_space<vmem>>, vector<16xf32>,
      tpu.vector_store %arg6[%swap3A_182], %broadcast_in_dim3A_3 {strides = array<i32>} : memref<40960xf32, #tpu.memory_space<vmem>>, vector<16xf32>,
      %add3A_184 = arith.constant 80 : i32
      %add3A_185 = arith.addi %mul3A_164, %add3A_184 : i32
      %swap3A_186 = arith.index_cast %add3A_185 : i32 to index
      %swap3A_187 = tpu.vector_load %arg6[%swap3A_186] {strides = array<i32>} : memref<40960xf32, #tpu.memory_space<vmem>>, vector<16xf32>,
      tpu.vector_store %arg6[%swap3A_186], %broadcast_in_dim3A_3 {strides = array<i32>} : memref<40960xf32, #tpu.memory_space<vmem>>, vector<16xf32>,
      %add3A_188 = arith.constant 96 : i32
      %add3A_189 = arith.addi %mul3A_164, %add3A_188 : i32
      %swap3A_190 = arith.index_cast %add3A_189 : i32 to index
      %swap3A_191 = tpu.vector_load %arg6[%swap3A_190] {strides = array<i32>} : memref<40960xf32, #tpu.memory_space<vmem>>, vector<16xf32>,
      tpu.vector_store %arg6[%swap3A_190], %broadcast_in_dim3A_3 {strides = array<i32>} : memref<40960xf32, #tpu.memory_space<vmem>>, vector<16xf32>,
      %add3A_192 = arith.constant 112 : i32
      %add3A_193 = arith.addi %mul3A_164, %add3A_192 : i32
      %swap3A_194 = arith.index_cast %add3A_193 : i32 to index
      %swap3A_195 = tpu.vector_load %arg6[%swap3A_194] {strides = array<i32>} : memref<40960xf32, #tpu.memory_space<vmem>>, vector<16xf32>,
      tpu.vector_store %arg6[%swap3A_194], %broadcast_in_dim3A_3 {strides = array<i32>} : memref<40960xf32, #tpu.memory_space<vmem>>, vector<16xf32>,
      %add3A_196 = arith.constant 128 : i32
      %add3A_197 = arith.addi %mul3A_164, %add3A_196 : i32
      %swap3A_198 = arith.index_cast %add3A_197 : i32 to index
      %swap3A_199 = tpu.vector_load %arg6[%swap3A_198] {strides = array<i32>} : memref<40960xf32, #tpu.memory_space<vmem>>, vector<16xf32>,
      tpu.vector_store %arg6[%swap3A_198], %broadcast_in_dim3A_3 {strides = array<i32>} : memref<40960xf32, #tpu.memory_space<vmem>>, vector<16xf32>,
      %add3A_200 = arith.constant 144 : i32
      %add3A_201 = arith.addi %mul3A_164, %add3A_200 : i32
      %swap3A_202 = arith.index_cast %add3A_201 : i32 to index
      %swap3A_203 = tpu.vector_load %arg6[%swap3A_202] {strides = array<i32>} : memref<40960xf32, #tpu.memory_space<vmem>>, vector<16xf32>,
      tpu.vector_store %arg6[%swap3A_202], %broadcast_in_dim3A_3 {strides = array<i32>} : memref<40960xf32, #tpu.memory_space<vmem>>, vector<16xf32>,
      %add3A_204 = arith.constant 160 : i32
      %add3A_205 = arith.addi %mul3A_164, %add3A_204 : i32
      %swap3A_206 = arith.index_cast %add3A_205 : i32 to index
      %swap3A_207 = tpu.vector_load %arg6[%swap3A_206] {strides = array<i32>} : memref<40960xf32, #tpu.memory_space<vmem>>, vector<16xf32>,
      tpu.vector_store %arg6[%swap3A_206], %broadcast_in_dim3A_3 {strides = array<i32>} : memref<40960xf32, #tpu.memory_space<vmem>>, vector<16xf32>,
      %add3A_208 = arith.constant 176 : i32
      %add3A_209 = arith.addi %mul3A_164, %add3A_208 : i32
      %swap3A_210 = arith.index_cast %add3A_209 : i32 to index
      %swap3A_211 = tpu.vector_load %arg6[%swap3A_210] {strides = array<i32>} : memref<40960xf32, #tpu.memory_space<vmem>>, vector<16xf32>,
      tpu.vector_store %arg6[%swap3A_210], %broadcast_in_dim3A_3 {strides = array<i32>} : memref<40960xf32, #tpu.memory_space<vmem>>, vector<16xf32>,
      %add3A_212 = arith.constant 192 : i32
      %add3A_213 = arith.addi %mul3A_164, %add3A_212 : i32
      %swap3A_214 = arith.index_cast %add3A_213 : i32 to index
      %swap3A_215 = tpu.vector_load %arg6[%swap3A_214] {strides = array<i32>} : memref<40960xf32, #tpu.memory_space<vmem>>, vector<16xf32>,
      tpu.vector_store %arg6[%swap3A_214], %broadcast_in_dim3A_3 {strides = array<i32>} : memref<40960xf32, #tpu.memory_space<vmem>>, vector<16xf32>,
      %add3A_216 = arith.constant 208 : i32
      %add3A_217 = arith.addi %mul3A_164, %add3A_216 : i32
      %swap3A_218 = arith.index_cast %add3A_217 : i32 to index
      %swap3A_219 = tpu.vector_load %arg6[%swap3A_218] {strides = array<i32>} : memref<40960xf32, #tpu.memory_space<vmem>>, vector<16xf32>,
      tpu.vector_store %arg6[%swap3A_218], %broadcast_in_dim3A_3 {strides = array<i32>} : memref<40960xf32, #tpu.memory_space<vmem>>, vector<16xf32>,
      %add3A_220 = arith.constant 224 : i32
      %add3A_221 = arith.addi %mul3A_164, %add3A_220 : i32
      %swap3A_222 = arith.index_cast %add3A_221 : i32 to index
      %swap3A_223 = tpu.vector_load %arg6[%swap3A_222] {strides = array<i32>} : memref<40960xf32, #tpu.memory_space<vmem>>, vector<16xf32>,
      tpu.vector_store %arg6[%swap3A_222], %broadcast_in_dim3A_3 {strides = array<i32>} : memref<40960xf32, #tpu.memory_space<vmem>>, vector<16xf32>,
      %add3A_224 = arith.constant 240 : i32
      %add3A_225 = arith.addi %mul3A_164, %add3A_224 : i32
      %swap3A_226 = arith.index_cast %add3A_225 : i32 to index
      %swap3A_227 = tpu.vector_load %arg6[%swap3A_226] {strides = array<i32>} : memref<40960xf32, #tpu.memory_space<vmem>>, vector<16xf32>,
      tpu.vector_store %arg6[%swap3A_226], %broadcast_in_dim3A_3 {strides = array<i32>} : memref<40960xf32, #tpu.memory_space<vmem>>, vector<16xf32>,
      %add3A_228 = arith.constant 256 : i32
      %add3A_229 = arith.addi %mul3A_164, %add3A_228 : i32
      %swap3A_230 = arith.index_cast %add3A_229 : i32 to index
      %swap3A_231 = tpu.vector_load %arg6[%swap3A_230] {strides = array<i32>} : memref<40960xf32, #tpu.memory_space<vmem>>, vector<16xf32>,
      tpu.vector_store %arg6[%swap3A_230], %broadcast_in_dim3A_3 {strides = array<i32>} : memref<40960xf32, #tpu.memory_space<vmem>>, vector<16xf32>,
      %add3A_232 = arith.constant 272 : i32
      %add3A_233 = arith.addi %mul3A_164, %add3A_232 : i32
      %swap3A_234 = arith.index_cast %add3A_233 : i32 to index
      %swap3A_235 = tpu.vector_load %arg6[%swap3A_234] {strides = array<i32>} : memref<40960xf32, #tpu.memory_space<vmem>>, vector<16xf32>,
      tpu.vector_store %arg6[%swap3A_234], %broadcast_in_dim3A_3 {strides = array<i32>} : memref<40960xf32, #tpu.memory_space<vmem>>, vector<16xf32>,
      %add3A_236 = arith.constant 288 : i32
      %add3A_237 = arith.addi %mul3A_164, %add3A_236 : i32
      %swap3A_238 = arith.index_cast %add3A_237 : i32 to index
      %swap3A_239 = tpu.vector_load %arg6[%swap3A_238] {strides = array<i32>} : memref<40960xf32, #tpu.memory_space<vmem>>, vector<16xf32>,
      tpu.vector_store %arg6[%swap3A_238], %broadcast_in_dim3A_3 {strides = array<i32>} : memref<40960xf32, #tpu.memory_space<vmem>>, vector<16xf32>,
      %add3A_240 = arith.constant 304 : i32
      %add3A_241 = arith.addi %mul3A_164, %add3A_240 : i32
      %swap3A_242 = arith.index_cast %add3A_241 : i32 to index
      %swap3A_243 = tpu.vector_load %arg6[%swap3A_242] {strides = array<i32>} : memref<40960xf32, #tpu.memory_space<vmem>>, vector<16xf32>,
      tpu.vector_store %arg6[%swap3A_242], %broadcast_in_dim3A_3 {strides = array<i32>} : memref<40960xf32, #tpu.memory_space<vmem>>, vector<16xf32>,
      %scan3A_244 = arith.constant 0 : i32
      scf.yield %scan3A_244 : i32
    }
    %scan3A_112 = arith.constant 128 : i32
    %scan3A_113 = arith.constant 0 : i32
    %scan3A_114 = arith.constant 0 : i32
    %scan3A_115 = arith.constant 4 : i32
    %scan3A_116 = arith.addi %scan3A_114, %scan3A_115 : i32
    %scan3A_117 = arith.constant 1 : i32
    %scan3A_118 = scf.for %scan3A_161 = %scan3A_114 to %scan3A_116 step %scan3A_117 iter_args(%scan3A_162 = %scan3A_113) -> (i32)  : i32 {
      %mul3A_163 = arith.constant 2 : i32
      %mul3A_164 = arith.muli %mul3A_163, %scan3A_161 : i32
      %add3A_165 = arith.constant 1 : i32
      %add3A_166 = arith.addi %mul3A_164, %add3A_165 : i32
      %ge3A = arith.constant 2 : i32
      %ge3A_167 = arith.cmpi sge, %add3A_166, %ge3A : i32
      %convert_element_type3A = arith.extui %ge3A_167 : i1 to i32
      %cond3A = arith.constant 0 : i32
      %cond3A_168 = arith.cmpi ne, %convert_element_type3A, %cond3A : i32
      scf.if %cond3A_168 {
        %dma_wait3A_213 = arith.constant 0 : i32
        %dma_wait3A_214 = tpu.memref_slice %arg3[%dma_wait3A_213] : memref<12800000xf32, #tpu.memory_space<hbm>> -> memref<40960xf32, #tpu.memory_space<hbm>>
        %dma_wait3A_215 = arith.constant 0 : i32
        %dma_wait3A_216 = tpu.memref_slice %arg3[%dma_wait3A_215] : memref<12800000xf32, #tpu.memory_space<hbm>> -> memref<40960xf32, #tpu.memory_space<hbm>>
        tpu.wait_dma2 semaphore(%arg11 : memref<!tpu.dma_semaphore, #tpu.memory_space<semaphore_mem>>) src(%arg6 : memref<40960xf32, #tpu.memory_space<vmem>>) dst(%dma_wait3A_216 : memref<40960xf32, #tpu.memory_space<hbm>>)
        %scan3A_217 = arith.constant 0 : i32
        %scan3A_218 = arith.constant 0 : i32
        %scan3A_219 = arith.constant 20 : i32
        %scan3A_220 = arith.addi %scan3A_218, %scan3A_219 : i32
        %scan3A_221 = arith.constant 1 : i32
        %scan3A_222 = scf.for %scan3A_224 = %scan3A_218 to %scan3A_220 step %scan3A_221 iter_args(%scan3A_225 = %scan3A_217) -> (i32)  : i32 {
          %mul3A_226 = arith.constant 16 : i32
          %mul3A_227 = arith.muli %scan3A_224, %mul3A_226 : i32
          %get3A = arith.index_cast %mul3A_227 : i32 to index
          %get3A_228 = tpu.vector_load %arg8[%get3A] {strides = array<i32>} : memref<320xi32, #tpu.memory_space<vmem>>, vector<16xi32>,
          tpu.vector_store_idx %arg6[%get3A_228], %broadcast_in_dim3A_3 : memref<40960xf32, #tpu.memory_space<vmem>>[vector<16xi32>], vector<16xf32>,
          %scan3A_229 = arith.constant 0 : i32
          scf.yield %scan3A_229 : i32
        }
        %scan3A_223 = arith.constant 20 : i32
      } else {
      }
      %mul3A_169 = arith.constant 320 : i32
      %mul3A_170 = arith.muli %add3A_166, %mul3A_169 : i32
      %scan3A_171 = arith.constant 0 : i32
      %scan3A_172 = arith.constant 0 : i32
      %scan3A_173 = arith.constant 20 : i32
      %scan3A_174 = arith.addi %scan3A_172, %scan3A_173 : i32
      %scan3A_175 = arith.constant 1 : i32
      %scan3A_176 = scf.for %scan3A_213 = %scan3A_172 to %scan3A_174 step %scan3A_175 iter_args(%scan3A_214 = %scan3A_171) -> (i32)  : i32 {
        %mul3A_215 = arith.constant 16 : i32
        %mul3A_216 = arith.muli %scan3A_213, %mul3A_215 : i32
        %add3A_217 = arith.addi %mul3A_170, %mul3A_216 : i32
        %get3A = arith.index_cast %add3A_217 : i32 to index
        %get3A_218 = tpu.vector_load %arg4[%get3A] {strides = array<i32>} : memref<3136xi32, #tpu.memory_space<vmem>>, vector<16xi32>,
        %mul3A_219 = arith.constant 16 : i32
        %mul3A_220 = arith.muli %scan3A_213, %mul3A_219 : i32
        %add3A_221 = vector.broadcast %mul3A_220 : i32 to vector<16xi32>
        %add3A_222 = arith.addi %add3A_221, %iota3A : vector<16xi32>
        %mul3A_223 = arith.constant 128 : i32
        %mul3A_224 = vector.broadcast %mul3A_223 : i32 to vector<16xi32>
        %mul3A_225 = arith.muli %add3A_222, %mul3A_224 : vector<16xi32>
        %add3A_226 = arith.addi %mul3A_225, %get3A_218 : vector<16xi32>
        tpu.vector_store_idx %arg6[%add3A_226], %broadcast_in_dim3A_1 : memref<40960xf32, #tpu.memory_space<vmem>>[vector<16xi32>], vector<16xf32>,
        %mul3A_227 = arith.constant 16 : i32
        %mul3A_228 = arith.muli %scan3A_213, %mul3A_227 : i32
        %swap3A = arith.index_cast %mul3A_228 : i32 to index
        %swap3A_229 = tpu.vector_load %arg8[%swap3A] {strides = array<i32>} : memref<320xi32, #tpu.memory_space<vmem>>, vector<16xi32>,
        tpu.vector_store %arg8[%swap3A], %add3A_226 {strides = array<i32>} : memref<320xi32, #tpu.memory_space<vmem>>, vector<16xi32>,
        %scan3A_230 = arith.constant 0 : i32
        scf.yield %scan3A_230 : i32
      }
      %scan3A_177 = arith.constant 20 : i32
      %mul3A_178 = arith.constant 320 : i32
      %mul3A_179 = arith.muli %add3A_166, %mul3A_178 : i32
      %add3A_180 = arith.addi %multiple_of3A, %mul3A_179 : i32
      %mul3A_181 = arith.constant 128 : i32
      %mul3A_182 = arith.muli %add3A_180, %mul3A_181 : i32
      %multiple_of3A_183 = tpu.assume_multiple %mul3A_182, 8 : i32
      %dma_start3A_184 = tpu.memref_slice %arg3[%multiple_of3A_183] : memref<12800000xf32, #tpu.memory_space<hbm>> -> memref<40960xf32, #tpu.memory_space<hbm>>
      %dma_start3A_185 = tpu.memref_slice %arg3[%multiple_of3A_183] : memref<12800000xf32, #tpu.memory_space<hbm>> -> memref<40960xf32, #tpu.memory_space<hbm>>
      tpu.enqueue_dma source(%arg6 : memref<40960xf32, #tpu.memory_space<vmem>>) target(%dma_start3A_185 : memref<40960xf32, #tpu.memory_space<hbm>>) target_semaphore(%arg11 : memref<!tpu.dma_semaphore, #tpu.memory_space<semaphore_mem>>)
      %mul3A_186 = arith.constant 2 : i32
      %mul3A_187 = arith.muli %mul3A_186, %scan3A_161 : i32
      %add3A_188 = arith.constant 2 : i32
      %add3A_189 = arith.addi %mul3A_187, %add3A_188 : i32
      %ge3A_190 = arith.constant 2 : i32
      %ge3A_191 = arith.cmpi sge, %add3A_189, %ge3A_190 : i32
      %convert_element_type3A_192 = arith.extui %ge3A_191 : i1 to i32
      %cond3A_193 = arith.constant 0 : i32
      %cond3A_194 = arith.cmpi ne, %convert_element_type3A_192, %cond3A_193 : i32
      scf.if %cond3A_194 {
        %dma_wait3A_213 = arith.constant 0 : i32
        %dma_wait3A_214 = tpu.memref_slice %arg3[%dma_wait3A_213] : memref<12800000xf32, #tpu.memory_space<hbm>> -> memref<40960xf32, #tpu.memory_space<hbm>>
        %dma_wait3A_215 = arith.constant 0 : i32
        %dma_wait3A_216 = tpu.memref_slice %arg3[%dma_wait3A_215] : memref<12800000xf32, #tpu.memory_space<hbm>> -> memref<40960xf32, #tpu.memory_space<hbm>>
        tpu.wait_dma2 semaphore(%arg10 : memref<!tpu.dma_semaphore, #tpu.memory_space<semaphore_mem>>) src(%arg5 : memref<40960xf32, #tpu.memory_space<vmem>>) dst(%dma_wait3A_216 : memref<40960xf32, #tpu.memory_space<hbm>>)
        %scan3A_217 = arith.constant 0 : i32
        %scan3A_218 = arith.constant 0 : i32
        %scan3A_219 = arith.constant 20 : i32
        %scan3A_220 = arith.addi %scan3A_218, %scan3A_219 : i32
        %scan3A_221 = arith.constant 1 : i32
        %scan3A_222 = scf.for %scan3A_224 = %scan3A_218 to %scan3A_220 step %scan3A_221 iter_args(%scan3A_225 = %scan3A_217) -> (i32)  : i32 {
          %mul3A_226 = arith.constant 16 : i32
          %mul3A_227 = arith.muli %scan3A_224, %mul3A_226 : i32
          %get3A = arith.index_cast %mul3A_227 : i32 to index
          %get3A_228 = tpu.vector_load %arg7[%get3A] {strides = array<i32>} : memref<320xi32, #tpu.memory_space<vmem>>, vector<16xi32>,
          tpu.vector_store_idx %arg5[%get3A_228], %broadcast_in_dim3A_3 : memref<40960xf32, #tpu.memory_space<vmem>>[vector<16xi32>], vector<16xf32>,
          %scan3A_229 = arith.constant 0 : i32
          scf.yield %scan3A_229 : i32
        }
        %scan3A_223 = arith.constant 20 : i32
      } else {
      }
      %mul3A_195 = arith.constant 320 : i32
      %mul3A_196 = arith.muli %add3A_189, %mul3A_195 : i32
      %scan3A_197 = arith.constant 0 : i32
      %scan3A_198 = arith.constant 0 : i32
      %scan3A_199 = arith.constant 20 : i32
      %scan3A_200 = arith.addi %scan3A_198, %scan3A_199 : i32
      %scan3A_201 = arith.constant 1 : i32
      %scan3A_202 = scf.for %scan3A_213 = %scan3A_198 to %scan3A_200 step %scan3A_201 iter_args(%scan3A_214 = %scan3A_197) -> (i32)  : i32 {
        %mul3A_215 = arith.constant 16 : i32
        %mul3A_216 = arith.muli %scan3A_213, %mul3A_215 : i32
        %add3A_217 = arith.addi %mul3A_196, %mul3A_216 : i32
        %get3A = arith.index_cast %add3A_217 : i32 to index
        %get3A_218 = tpu.vector_load %arg4[%get3A] {strides = array<i32>} : memref<3136xi32, #tpu.memory_space<vmem>>, vector<16xi32>,
        %mul3A_219 = arith.constant 16 : i32
        %mul3A_220 = arith.muli %scan3A_213, %mul3A_219 : i32
        %add3A_221 = vector.broadcast %mul3A_220 : i32 to vector<16xi32>
        %add3A_222 = arith.addi %add3A_221, %iota3A : vector<16xi32>
        %mul3A_223 = arith.constant 128 : i32
        %mul3A_224 = vector.broadcast %mul3A_223 : i32 to vector<16xi32>
        %mul3A_225 = arith.muli %add3A_222, %mul3A_224 : vector<16xi32>
        %add3A_226 = arith.addi %mul3A_225, %get3A_218 : vector<16xi32>
        tpu.vector_store_idx %arg5[%add3A_226], %broadcast_in_dim3A_1 : memref<40960xf32, #tpu.memory_space<vmem>>[vector<16xi32>], vector<16xf32>,
        %mul3A_227 = arith.constant 16 : i32
        %mul3A_228 = arith.muli %scan3A_213, %mul3A_227 : i32
        %swap3A = arith.index_cast %mul3A_228 : i32 to index
        %swap3A_229 = tpu.vector_load %arg7[%swap3A] {strides = array<i32>} : memref<320xi32, #tpu.memory_space<vmem>>, vector<16xi32>,
        tpu.vector_store %arg7[%swap3A], %add3A_226 {strides = array<i32>} : memref<320xi32, #tpu.memory_space<vmem>>, vector<16xi32>,
        %scan3A_230 = arith.constant 0 : i32
        scf.yield %scan3A_230 : i32
      }
      %scan3A_203 = arith.constant 20 : i32
      %mul3A_204 = arith.constant 320 : i32
      %mul3A_205 = arith.muli %add3A_189, %mul3A_204 : i32
      %add3A_206 = arith.addi %multiple_of3A, %mul3A_205 : i32
      %mul3A_207 = arith.constant 128 : i32
      %mul3A_208 = arith.muli %add3A_206, %mul3A_207 : i32
      %multiple_of3A_209 = tpu.assume_multiple %mul3A_208, 8 : i32
      %dma_start3A_210 = tpu.memref_slice %arg3[%multiple_of3A_209] : memref<12800000xf32, #tpu.memory_space<hbm>> -> memref<40960xf32, #tpu.memory_space<hbm>>
      %dma_start3A_211 = tpu.memref_slice %arg3[%multiple_of3A_209] : memref<12800000xf32, #tpu.memory_space<hbm>> -> memref<40960xf32, #tpu.memory_space<hbm>>
      tpu.enqueue_dma source(%arg5 : memref<40960xf32, #tpu.memory_space<vmem>>) target(%dma_start3A_211 : memref<40960xf32, #tpu.memory_space<hbm>>) target_semaphore(%arg10 : memref<!tpu.dma_semaphore, #tpu.memory_space<semaphore_mem>>)
      %scan3A_212 = arith.constant 0 : i32
      scf.yield %scan3A_212 : i32
    }
    %scan3A_119 = arith.constant 4 : i32
    %dma_wait3A_120 = arith.constant 0 : i32
    %dma_wait3A_121 = tpu.memref_slice %arg3[%dma_wait3A_120] : memref<12800000xf32, #tpu.memory_space<hbm>> -> memref<40960xf32, #tpu.memory_space<hbm>>
    %dma_wait3A_122 = arith.constant 0 : i32
    %dma_wait3A_123 = tpu.memref_slice %arg3[%dma_wait3A_122] : memref<12800000xf32, #tpu.memory_space<hbm>> -> memref<40960xf32, #tpu.memory_space<hbm>>
    tpu.wait_dma2 semaphore(%arg11 : memref<!tpu.dma_semaphore, #tpu.memory_space<semaphore_mem>>) src(%arg6 : memref<40960xf32, #tpu.memory_space<vmem>>) dst(%dma_wait3A_123 : memref<40960xf32, #tpu.memory_space<hbm>>)
    %scan3A_124 = arith.constant 0 : i32
    %scan3A_125 = arith.constant 0 : i32
    %scan3A_126 = arith.constant 20 : i32
    %scan3A_127 = arith.addi %scan3A_125, %scan3A_126 : i32
    %scan3A_128 = arith.constant 1 : i32
    %scan3A_129 = scf.for %scan3A_161 = %scan3A_125 to %scan3A_127 step %scan3A_128 iter_args(%scan3A_162 = %scan3A_124) -> (i32)  : i32 {
      %mul3A_163 = arith.constant 16 : i32
      %mul3A_164 = arith.muli %scan3A_161, %mul3A_163 : i32
      %get3A = arith.index_cast %mul3A_164 : i32 to index
      %get3A_165 = tpu.vector_load %arg8[%get3A] {strides = array<i32>} : memref<320xi32, #tpu.memory_space<vmem>>, vector<16xi32>,
      tpu.vector_store_idx %arg6[%get3A_165], %broadcast_in_dim3A_3 : memref<40960xf32, #tpu.memory_space<vmem>>[vector<16xi32>], vector<16xf32>,
      %scan3A_166 = arith.constant 0 : i32
      scf.yield %scan3A_166 : i32
    }
    %scan3A_130 = arith.constant 20 : i32
    %scan3A_131 = arith.constant 0 : i32
    %scan3A_132 = arith.constant 0 : i32
    %scan3A_133 = arith.constant 16 : i32
    %scan3A_134 = arith.addi %scan3A_132, %scan3A_133 : i32
    %scan3A_135 = arith.constant 1 : i32
    %scan3A_136 = scf.for %scan3A_161 = %scan3A_132 to %scan3A_134 step %scan3A_135 iter_args(%scan3A_162 = %scan3A_131) -> (i32)  : i32 {
      %mul3A_163 = arith.constant 16 : i32
      %mul3A_164 = arith.muli %scan3A_161, %mul3A_163 : i32
      %add3A_165 = arith.constant 2880 : i32
      %add3A_166 = arith.addi %add3A_165, %mul3A_164 : i32
      %get3A = arith.index_cast %add3A_166 : i32 to index
      %get3A_167 = tpu.vector_load %arg4[%get3A] {strides = array<i32>} : memref<3136xi32, #tpu.memory_space<vmem>>, vector<16xi32>,
      %mul3A_168 = arith.constant 16 : i32
      %mul3A_169 = arith.muli %scan3A_161, %mul3A_168 : i32
      %add3A_170 = vector.broadcast %mul3A_169 : i32 to vector<16xi32>
      %add3A_171 = arith.addi %add3A_170, %iota3A : vector<16xi32>
      %mul3A_172 = arith.constant 128 : i32
      %mul3A_173 = vector.broadcast %mul3A_172 : i32 to vector<16xi32>
      %mul3A_174 = arith.muli %add3A_171, %mul3A_173 : vector<16xi32>
      %add3A_175 = arith.addi %mul3A_174, %get3A_167 : vector<16xi32>
      tpu.vector_store_idx %arg6[%add3A_175], %broadcast_in_dim3A_1 : memref<40960xf32, #tpu.memory_space<vmem>>[vector<16xi32>], vector<16xf32>,
      %mul3A_176 = arith.constant 16 : i32
      %mul3A_177 = arith.muli %scan3A_161, %mul3A_176 : i32
      %swap3A = arith.index_cast %mul3A_177 : i32 to index
      %swap3A_178 = tpu.vector_load %arg8[%swap3A] {strides = array<i32>} : memref<320xi32, #tpu.memory_space<vmem>>, vector<16xi32>,
      tpu.vector_store %arg8[%swap3A], %add3A_175 {strides = array<i32>} : memref<320xi32, #tpu.memory_space<vmem>>, vector<16xi32>,
      %scan3A_179 = arith.constant 0 : i32
      scf.yield %scan3A_179 : i32
    }
    %scan3A_137 = arith.constant 16 : i32
    %sub3A_138 = arith.constant 256 : i32
    %sub3A_139 = arith.subi %multiple_of3A_56, %sub3A_138 : i32
    %mul3A_140 = arith.constant 128 : i32
    %mul3A_141 = arith.muli %sub3A_139, %mul3A_140 : i32
    %multiple_of3A_142 = tpu.assume_multiple %mul3A_141, 8 : i32
    %dma_start3A_143 = arith.constant 0 : i32
    %dma_start3A_144 = tpu.memref_slice %arg6[%dma_start3A_143] : memref<40960xf32, #tpu.memory_space<vmem>> -> memref<32768xf32, #tpu.memory_space<vmem>>
    %dma_start3A_145 = tpu.memref_slice %arg3[%multiple_of3A_142] : memref<12800000xf32, #tpu.memory_space<hbm>> -> memref<32768xf32, #tpu.memory_space<hbm>>
    %dma_start3A_146 = tpu.memref_slice %arg3[%multiple_of3A_142] : memref<12800000xf32, #tpu.memory_space<hbm>> -> memref<32768xf32, #tpu.memory_space<hbm>>
    %dma_start3A_147 = arith.constant 0 : i32
    %dma_start3A_148 = tpu.memref_slice %arg6[%dma_start3A_147] : memref<40960xf32, #tpu.memory_space<vmem>> -> memref<32768xf32, #tpu.memory_space<vmem>>
    tpu.enqueue_dma source(%dma_start3A_148 : memref<32768xf32, #tpu.memory_space<vmem>>) target(%dma_start3A_146 : memref<32768xf32, #tpu.memory_space<hbm>>) target_semaphore(%arg11 : memref<!tpu.dma_semaphore, #tpu.memory_space<semaphore_mem>>)
    %dma_wait3A_149 = arith.constant 0 : i32
    %dma_wait3A_150 = tpu.memref_slice %arg3[%dma_wait3A_149] : memref<12800000xf32, #tpu.memory_space<hbm>> -> memref<40960xf32, #tpu.memory_space<hbm>>
    %dma_wait3A_151 = arith.constant 0 : i32
    %dma_wait3A_152 = tpu.memref_slice %arg3[%dma_wait3A_151] : memref<12800000xf32, #tpu.memory_space<hbm>> -> memref<40960xf32, #tpu.memory_space<hbm>>
    tpu.wait_dma2 semaphore(%arg10 : memref<!tpu.dma_semaphore, #tpu.memory_space<semaphore_mem>>) src(%arg5 : memref<40960xf32, #tpu.memory_space<vmem>>) dst(%dma_wait3A_152 : memref<40960xf32, #tpu.memory_space<hbm>>)
    %dma_wait3A_153 = arith.constant 0 : i32
    %dma_wait3A_154 = tpu.memref_slice %arg6[%dma_wait3A_153] : memref<40960xf32, #tpu.memory_space<vmem>> -> memref<32768xf32, #tpu.memory_space<vmem>>
    %dma_wait3A_155 = arith.constant 0 : i32
    %dma_wait3A_156 = tpu.memref_slice %arg3[%dma_wait3A_155] : memref<12800000xf32, #tpu.memory_space<hbm>> -> memref<32768xf32, #tpu.memory_space<hbm>>
    %dma_wait3A_157 = arith.constant 0 : i32
    %dma_wait3A_158 = tpu.memref_slice %arg3[%dma_wait3A_157] : memref<12800000xf32, #tpu.memory_space<hbm>> -> memref<32768xf32, #tpu.memory_space<hbm>>
    %dma_wait3A_159 = arith.constant 0 : i32
    %dma_wait3A_160 = tpu.memref_slice %arg6[%dma_wait3A_159] : memref<40960xf32, #tpu.memory_space<vmem>> -> memref<32768xf32, #tpu.memory_space<vmem>>
    tpu.wait_dma2 semaphore(%arg11 : memref<!tpu.dma_semaphore, #tpu.memory_space<semaphore_mem>>) src(%dma_wait3A_160 : memref<32768xf32, #tpu.memory_space<vmem>>) dst(%dma_wait3A_158 : memref<32768xf32, #tpu.memory_space<hbm>>)
    return
  }
}

</mosaic_0001>

<sc_bundles>
// kernel: kernel.3.cloned.1.call-start
scs
__scs_entry_jumppad:
0x0: {  	(pc) =	sbr.rel $0x88, $3  }
0x1: {  	(tag) =	ssettag $0x0;
	lr =	simm.s32 $0x1  }
0x2: {  	[smem:$0x3FA0] =	sst lr;
	_ =	strace $0xD0000000  }
0x3: {  	_ = 	snop  }
0x4: {  	_ = 	snop  }
0x5: {  	_ = 	snop  }
0x6: {  	_ = 	snop  }
0x7: {  	_ = 	snop  }
__scs_overlays_trampoline_lowered:
0x8: {  	[smem:$0x3FAF] =	sst s0  }
0x9: {  	[smem:$0x3FB0] =	sst s1  }
0xa: {  	[smem:$0x3FB1] =	sst s2  }
0xb: {  	[smem:$0x3FB2] =	sst s3  }
0xc: {  	[smem:$0x3FB3] =	sst s4  }
0xd: {  	[smem:$0x3FB4] =	sst s5  }
0xe: {  	[smem:$0x3FB5] =	sst s6  }
0xf: {  	[smem:$0x3FB6] =	sst s7  }
0x10: {  	[smem:$0x3FB7] =	sst s8  }
0x11: {  	[smem:$0x3FB8] =	sst s9;
	s0 =	simm.s32 @!p0 $0x0  }
0x12: {  	s1 =	sld [smem:$0x3F9E];
	s0 =	simm.s32 @p0 $0x1  }
0x13: {  	[smem:$0x3FB9] =	sst s0;
	s0 =	simm.s32 @!p1 $0x0  }
0x14: {  	s2 =	sld [smem:$0x3F9D];
	s0 =	simm.s32 @p1 $0x1  }
0x15: {  	[smem:$0x3FBA] =	sst s0;
	s0 =	simm.s32 @!p2 $0x0  }
0x16: {  	s3 =	sld [smem:$0x3FDB];
	s0 =	simm.s32 @p2 $0x1  }
0x17: {  	s4 =	simm.s32 $0x1BF5;
	[smem:$0x3FBC] =	sst s0  }
0x18: {  	s0 =	sld [smem:$0x3F9F];
	_ =	swait.ge [sflag:s4], $0x0  }
0x19: {  	s7 =	sld [smem:$0x3FA0]  }
0x1a: {  	s8 =	sadd.s32 $0xFFFFE003, lr  }
0x1b: {  	s9 =	sadd.s32 $0xFFFFFEF7, lr;
	s5 =	simm.s32 $0xFFFFFFFF;
	p2 =	slt.u32 s8, $0xFFFFF086  }
0x1c: {  	p1 =	slt.u32 s9, $0xF7A;
	s5 =	simm.s32 @!p2 $0x0  }
0x1d: {  	s5 =	simm.s32 @p1 $0x1;
	p0 =	seq.s32 s7, s2  }
0x1e: {  	s7 =	smul.u32 @!p0 $0xF7A, s2;
	p2 =	seq.s32 @!p0 s5, $0x0  }
0x1f: {  	s9 =	smul.u32 $0xF7A, s1;
	s8 =	simm.s32 @!p0 $0x1BF5;
	p2 =	por !p2, p0  }
0x20: {  	[sflag:s8] =	ssyncset.s32 @!p0 $0xFFFFF086;
	s6 =	sadd.s32 @!p0 s3, s7;
	s7 =	simm.s32 @!p0 $0x108  }
0x21: {  	s3 =	sadd.s32 s3, s9;
	s6 =	sadd.s32 @!p0 $0x88, s6;
	s7 =	simm.s32 @p2 $0x1082  }
0x22: {  	[simem:s7], [sflag:s8] =	dma.local @!p0 [hbm:s6], $0xF7A  }
0x23: {  	s9 =	sor.u32 $0xD0000000, s2;
	s6 =	simm.s32 $0x108;
	_ =	swait.ge @!p0 [sflag:s8], $0x0  }
0x24: {  	s3 =	sadd.s32 $0x88, s3;
	s6 =	simm.s32 @!p1 $0x1082;
	[sflag:s4] =	ssyncset.s32 $0xFFFFF086  }
0x25: {  	[simem:s6], [sflag:s4] =	dma.local [hbm:s3], $0xF7A  }
0x26: {  	[smem:$0x3FA0] =	sst s1;
	(tag) =	ssettag s2;
	_ =	strace s9  }
0x27: {  	s1 =	sld [smem:$0x3FB0]  }
0x28: {  	s2 =	sld [smem:$0x3FB1]  }
0x29: {  	s4 =	sld [smem:$0x3FB3]  }
0x2a: {  	p0 =	seq.s32 s5, $0x0;
	s5 =	sld [smem:$0x3FB4]  }
0x2b: {  	s6 =	sld [smem:$0x3FB5]  }
0x2c: {  	s7 =	sld [smem:$0x3FB6]  }
0x2d: {  	s3 =	simm.s32 $0x108;
	s8 =	sld [smem:$0x3FB7]  }
0x2e: {  	s3 =	simm.s32 @!p0 $0x1082;
	s9 =	sld [smem:$0x3FB8]  }
0x2f: {  	lr =	sadd.s32 s0, s3;
	s0 =	sld [smem:$0x3FAF]  }
0x30: {  	s3 =	sld [smem:$0x3FB2]  }
0x31: {  	[smem:$0x3FBB] =	sst s10  }
0x32: {  	s10 =	sld [smem:$0x3FB9];
	_ =	sdelay $0x3  }
0x33: {  	p0 =	seq.s32 s10, $0x1;
	s10 =	sld [smem:$0x3FBB];
	_ =	sdelay $0x3  }
0x34: {  	[smem:$0x3FBB] =	sst s10  }
0x35: {  	s10 =	sld [smem:$0x3FBA];
	_ =	sdelay $0x3  }
0x36: {  	p1 =	seq.s32 s10, $0x1;
	s10 =	sld [smem:$0x3FBB];
	_ =	sdelay $0x3  }
0x37: {  	[smem:$0x3FBB] =	sst s10  }
0x38: {  	s10 =	sld [smem:$0x3FBC]  }
0x39: {  	_ = 	snop;
	(pc) =	sbr.ind lr, $3  }
0x3a: {  	_ = 	snop  }
0x3b: {  	_ = 	snop  }
0x3c: {  	p2 =	seq.s32 s10, $0x1;
	s10 =	sld [smem:$0x3FBB]  }
0x3d: {  	_ =	shalt  }
0x3e: {  	_ =	shalt  }
0x3f: {  	_ =	shalt  }
0x40: {  	_ =	shalt  }
0x41: {  	_ =	shalt  }
0x42: {  	_ =	shalt  }
0x43: {  	_ =	shalt  }
0x44: {  	_ =	shalt  }
0x45: {  	_ =	shalt  }
0x46: {  	_ =	shalt  }
0x47: {  	_ =	shalt  }
0x48: {  	_ =	shalt  }
0x49: {  	_ =	shalt  }
0x4a: {  	_ =	shalt  }
0x4b: {  	_ =	shalt  }
0x4c: {  	_ =	shalt  }
0x4d: {  	_ =	shalt  }
0x4e: {  	_ =	shalt  }
0x4f: {  	_ =	shalt  }
0x50: {  	_ =	shalt  }
0x51: {  	_ =	shalt  }
0x52: {  	_ =	shalt  }
0x53: {  	_ =	shalt  }
0x54: {  	_ =	shalt  }
0x55: {  	_ =	shalt  }
0x56: {  	_ =	shalt  }
0x57: {  	_ =	shalt  }
0x58: {  	_ =	shalt  }
0x59: {  	_ =	shalt  }
0x5a: {  	_ =	shalt  }
0x5b: {  	_ =	shalt  }
0x5c: {  	_ =	shalt  }
0x5d: {  	_ =	shalt  }
0x5e: {  	_ =	shalt  }
0x5f: {  	_ =	shalt  }
0x60: {  	_ =	shalt  }
0x61: {  	_ =	shalt  }
0x62: {  	_ =	shalt  }
0x63: {  	_ =	shalt  }
0x64: {  	_ =	shalt  }
0x65: {  	_ =	shalt  }
0x66: {  	_ =	shalt  }
0x67: {  	_ =	shalt  }
0x68: {  	_ =	shalt  }
0x69: {  	_ =	shalt  }
0x6a: {  	_ =	shalt  }
0x6b: {  	_ =	shalt  }
0x6c: {  	_ =	shalt  }
0x6d: {  	_ =	shalt  }
0x6e: {  	_ =	shalt  }
0x6f: {  	_ =	shalt  }
0x70: {  	_ =	shalt  }
0x71: {  	_ =	shalt  }
0x72: {  	_ =	shalt  }
0x73: {  	_ =	shalt  }
0x74: {  	_ =	shalt  }
0x75: {  	_ =	shalt  }
0x76: {  	_ =	shalt  }
0x77: {  	_ =	shalt  }
0x78: {  	_ =	shalt  }
0x79: {  	_ =	shalt  }
0x7a: {  	_ =	shalt  }
0x7b: {  	_ =	shalt  }
0x7c: {  	_ =	shalt  }
0x7d: {  	_ =	shalt  }
0x7e: {  	_ =	shalt  }
0x7f: {  	_ =	shalt  }
0x80: {  	_ =	shalt  }
0x81: {  	_ =	shalt  }
0x82: {  	_ =	shalt  }
0x83: {  	_ =	shalt  }
0x84: {  	_ =	shalt  }
0x85: {  	_ =	shalt  }
0x86: {  	_ =	shalt  }
0x87: {  	_ =	shalt  }
.Lfunc_end0:
.L_simem_size_0:
called_computation_lowered:
.L_overlay_start_0:
0x88: {  	s2 =	sld [smem:$0x3FD9]  }
0x89: {  	s3 =	sld [smem:$0x3FFE];
	_ =	sdelay $0x1  }
0x8a: {  	s1 =	srdreg.scid  }
0x8b: {  	s0 =	sand.u32 $0x1, s1  }
0x8c: {  	s18 =	sshll.u32 s0, $0xA;
	s2 =	sadd.s32 s3, s2  }
0x8d: {  	s2 =	sadd.s32 s2, s18  }
0x8e: {  	[smem:$0x3FC7] =	sst s2  }
0x8f: {  	_ = 	snop  }
0x90: {  	s2 =	sld [smem:$0x3FC9]  }
0x91: {  	s19 =	sld [smem:$0x3FD0];
	(tm) =	ssettm $0x1  }
0x92: {  	s4 =	sld [smem:$0x3FFB];
	_ =	sdelay $0x3  }
0x93: {  	_ =	strace s4  }
0x94: {  	s4 =	sld [smem:$0x3FFC];
	_ =	sdelay $0x3  }
0x95: {  	_ =	strace s4  }
0x96: {  	s4 =	sld [smem:$0x3FFD];
	_ =	sdelay $0x3  }
0x97: {  	_ =	strace s4  }
0x98: {  	_ =	strace $0x8FFFFFFF  }
0x99: {  	s20 =	sld [smem:$0x3FDB];
	_ =	sdelay $0x1  }
0x9a: {  	s5 =	simm.s32 $_scs_section_size  }
0x9b: {  	s6 =	simm.s32 $_size__tile_overlayer_lowered;
	s7 =	simm.s32 $_tile_overlayer_lowered  }
0x9c: {  	s23 =	simm.s32 $0x1BFF;
	s22 =	sshll.u32 s7, $0x1;
	s4 =	sadd.s32 s5, s20  }
0x9d: {  	s8 =	simm.s32 $0x0;
	s21 =	sshll.u32 s6, $0x1;
	s6 =	sadd.s32 s22, s4  }
0x9e: {  	[timem:s8], [sflag:s23] =	dma.local [hbm:s6], s21  }
0x9f: {  	_ =	swait.ge [sflag:s23], s21  }
0xa0: {  	s5 =	ssub.s32 $0x0, s21;
	[sflag:s23] =	ssyncset.done $0x0  }
0xa1: {  	[sflag:s23] =	ssyncadd.s32 s5;
	_ =	sdelay $0x1  }
0xa2: {  	s24 =	simm.s32 $0x1B8B  }
0xa3: {  	_ =	swait.ge [sflag:s24], $0x1  }
0xa4: {  	[sflag:s24] =	ssyncset.done $0x0  }
0xa5: {  	s25 =	simm.s32 $0x1B8E;
	[sflag:s24] =	ssyncadd.s32 $0xFFFFFFFF  }
0xa6: {  	s26 =	simm.s32 $execute0_lowered;
	[smem:$0x3FD2] =	sst s25  }
0xa7: {  	s5 =	sshll.u32 s26, $0x1;
	_ =	strace $0x80000046;
	[dreg:$0x1] =	wrdreg $0xFFFFFFFF  }
0xa8: {  	s28 =	simm.s32 $_size_execute0_lowered;
	s4 =	sadd.s32 s4, s5;
	[dreg:$0x0] =	wrdreg $0x0  }
0xa9: {  	s5 =	sshll.u32 s28, $0x1;
	[dreg:$0x2] =	wrdreg s4  }
0xaa: {  	[dreg:$0x3] =	wrdreg s5  }
0xab: {  	[dreg:$0x4] =	wrdreg $0xC0  }
0xac: {  	_ =	task [dreg:s8], $0x5FFFF  }
0xad: {  	[dreg:$0x1] =	wrdreg $0xFFFFFFFF  }
0xae: {  	[dreg:$0x0] =	wrdreg $0x60  }
0xaf: {  	[dreg:$0x2] =	wrdreg s2  }
0xb0: {  	[dreg:$0x3] =	wrdreg s19  }
0xb1: {  	[dreg:$0x4] =	wrdreg $0x9  }
0xb2: {  	_ =	task.clear_ibuf [dreg:s8], $0x5FFFF;
	_ =	strace $0x90000046  }
0xb3: {  	s29 =	simm.s32 $0x9;
	_ =	strace $0x80000048  }
0xb4: {  	_ =	swait.ge [sflag:s29], $0x1  }
0xb5: {  	[sflag:s29] =	ssyncadd.s32 $0xFFFFFFFF  }
0xb6: {  	_ =	strace $0x90000048  }
0xb7: {  	_ =	sfence  }
0xb8: {  	s30 =	sld [smem:$0x0];
	_ =	sdelay $0x2  }
0xb9: {  	s31 =	sshll.u32 s1, $0xD;
	s1 =	sshrl.u32 s1, $0x2  }
0xba: {  	s3 =	sand.u32 $0x4000, s31;
	s1 =	sadd.s32 s1, s30  }
0xbb: {  	s0 =	sor.u32 s3, s0;
	s1 =	sshll.u32 s1, $0x11  }
0xbc: {  	s0 =	sor.u32 s1, s0  }
0xbd: {  	s0 =	sadd.s32 $0x8F2B, s0  }
0xbe: {  	[sflag:s0] =	ssyncadd.remote.s32 $0x1  }
0xbf: {  	_ =	sfence.sel $0xFFFF  }
0xc0: {  	[dreg:$0x0] =	wrdreg $0xFFFFFFFF;
	(pc) =	sbr.abs _section_cstart, $3  }
0xc1: {  	[dreg:$0x1] =	wrdreg $0xFFFFFFFF  }
0xc2: {  	_ =	task.clear_ibuf [dreg:s8], $0x2FFFF;
	_ =	strace $0x9FFFFFFF  }
0xc3: {  	(tm) =	ssettm $0x7FFFFFFF  }
tec
execute0_lowered:
.L_overlay_start_1:
0x0: {  	(tag) =	ssettag $0x1  }
0x1: {  	s1 =	srdreg.scid;
	s6 =	rddreg [dreg:$0x0]  }
0x2: {  	s0 =	stileid.u32;
	s2 =	rddreg [dreg:$0x1];
	s3 =	simm.s32 $0x0  }
0x3: {  	s12 =	simm.s32 $0xC80;
	s4 =	sand.u32 $0x1, s1;
	s26 =	sshll.u32 s0, $0x1  }
0x4: {  	s13 =	simm.s32 $0xAC80;
	s14 =	simm.s32 $0x2;
	s5 =	sor.u32 s4, s26  }
0x5: {  	s15 =	simm.s32 $0x3;
	s1 =	rddreg [dreg:$0x2];
	s7 =	smul.u32 $0x186A0, s5  }
0x6: {  	s16 =	simm.s32 $0x0;
	[smem:$0x7FF] =	sst s3;
	s8 =	ssub.s32 $0x2, s4  }
0x7: {  	_ =	strace $0x80000047;
	s4 =	smul.u32 $0xC35, s5;
	s7 =	sadd.s32 $0x186A0, s7  }
0x8: {  	s9 =	sshrl.u32 s8, $0x1;
	s11 =	smul.u32 $0xC350, s5;
	s7 =	sshrl.u32 s7, $0x5  }
0x9: {  	s9 =	ssub.s32 s8, s9;
	s10 =	sshrl.u32 s4, $0x3;
	s7 =	sand.u32 $0x3FFF8, s7  }
0xa: {  	s29 =	sand.u32 $0x1FFF80, s11;
	s9 =	smax.u32 s9, $0x1;
	s7 =	sadd.s32 $0xFFFFFF00, s7  }
0xb: {  	s11 =	simm.s32 $0x1;
	s5 =	sadd.s32 s6, s10;
	s30 =	sshll.u32 s7, $0x4  }
0xc: {  	v1 =	vlaneseq.u32;
	s10 =	simm.s32 $0xB40;
	s28 =	sshrl.u32 s7, $0x3;
	s31 =	sand.u32 $0x1FFFFF80, s30  }
0xd: {  	v0 =	vimm.f32 $0.0e+00;
	v2 =	vimm.f32 $1.000000000e+00;
	v1 =	vmul.u32 $0x80, v1;
	s7 =	sadd.s32 s2, s29;
	s6 =	sadd.s32 s6, s28;
	s8 =	sadd.s32 s2, s31  }
.LBB2_1:
0xe: {  	[tilespmem:s3], [sflag:$0x1] =	stream.linear.gather [hbm4b:s5+s3], $0xB40, $0x38;
	[tilespmem:$0x14F80] =	vst v63  }
0xf: {  	s17 =	simm.s32 $0xD20  }
0x10: {  	[tilespmem:s10], [sflag:$0x1] =	stream.linear.gather [hbm4b:s6+s3], $0x100, $0x38;
	[tilespmem:$0x14F80] =	vst v63  }
0x11: {  	[tilespmem:s17+$0xFFFFFFD0] =	vst v0  }
0x12: {  	[tilespmem:s17+$0xFFFFFFC0] =	vst v0  }
0x13: {  	[tilespmem:s17+$0xFFFFFFB0] =	vst v0  }
0x14: {  	[tilespmem:s17+$0xFFFFFFA0] =	vst v0  }
0x15: {  	[tilespmem:s17+$0xFFFFFF90] =	vst v0  }
0x16: {  	[tilespmem:s17+$0xFFFFFF80] =	vst v0  }
0x17: {  	[tilespmem:s17+$0xFFFFFF70] =	vst v0  }
0x18: {  	s18 =	sand.u32 $0xFFC0, s3;
	[tilespmem:s17+$0xFFFFFF60] =	vst v0  }
0x19: {  	[tilespmem:s18+$0xD00] =	vst v0  }
0x1a: {  	[tilespmem:s17+$0xFFFFFFF0] =	vst v0  }
0x1b: {  	[tilespmem:s17+$0x0] =	vst v0  }
0x1c: {  	[tilespmem:s17+$0x10] =	vst v0  }
0x1d: {  	[tilespmem:s17+$0x20] =	vst v0  }
0x1e: {  	[tilespmem:s17+$0x30] =	vst v0  }
0x1f: {  	[tilespmem:s17+$0x40] =	vst v0  }
0x20: {  	[tilespmem:s17+$0x50] =	vst v0  }
0x21: {  	[tilespmem:s18+$0xD80] =	vst v0;
	s18 =	simm.s32 $0x140  }
.LBB2_2:
0x22: {  	p0 =	sne.s32 s18, $0x9EC0;
	[tilespmem:s17+$0x90] =	vst v0  }
0x23: {  	[tilespmem:s17+$0x80] =	vst v0  }
0x24: {  	[tilespmem:s17+$0x70] =	vst v0;
	s17 =	sadd.s32 $0x140, s17  }
0x25: {  	[tilespmem:s17+$0xFFFFFFD0] =	vst v0  }
0x26: {  	[tilespmem:s17+$0xFFFFFFC0] =	vst v0  }
0x27: {  	[tilespmem:s17+$0xFFFFFFB0] =	vst v0  }
0x28: {  	[tilespmem:s17+$0xFFFFFFA0] =	vst v0  }
0x29: {  	[tilespmem:s17+$0xFFFFFF90] =	vst v0  }
0x2a: {  	[tilespmem:s17+$0xFFFFFF80] =	vst v0  }
0x2b: {  	[tilespmem:s17+$0xFFFFFF70] =	vst v0  }
0x2c: {  	s19 =	sand.u32 $0xFFC0, s18;
	[tilespmem:s17+$0xFFFFFF60] =	vst v0  }
0x2d: {  	[tilespmem:s19+$0xD00] =	vst v0  }
0x2e: {  	[tilespmem:s17+$0xFFFFFFF0] =	vst v0  }
0x2f: {  	[tilespmem:s17+$0x0] =	vst v0  }
0x30: {  	[tilespmem:s17+$0x10] =	vst v0  }
.Ltmp0:
0x31: {  	[tilespmem:s17+$0x20] =	vst v0;
	(pc) =	sbr.rel @p0 .LBB2_2-.Ltmp0, $4  }
0x32: {  	[tilespmem:s17+$0x30] =	vst v0  }
0x33: {  	[tilespmem:s17+$0x40] =	vst v0  }
0x34: {  	[tilespmem:s17+$0x50] =	vst v0  }
0x35: {  	s18 =	sadd.s32 $0x140, s18;
	[tilespmem:s19+$0xD80] =	vst v0  }
0x36: {  	[tilespmem:s17+$0x90] =	vst v0  }
0x37: {  	[tilespmem:s17+$0x80] =	vst v0  }
0x38: {  	[tilespmem:s17+$0x70] =	vst v0  }
0x39: {  	_ =	swait.ge [sflag:s11], $0xB40  }
0x3a: {  	[sflag:s11] =	ssyncset.done $0x0  }
0x3b: {  	[sflag:s11] =	ssyncadd.s32 $0xFFFFF4C0  }
0x3c: {  	_ =	swait.ge [sflag:s11], $0x100  }
0x3d: {  	[sflag:s11] =	ssyncset.done $0x0  }
0x3e: {  	s31 =	simm.s32 $0x0;
	[sflag:s11] =	ssyncadd.s32 $0xFFFFFF00  }
0x3f: {  	v3 =	vld [tilespmem:s31+$0x0];
	_ =	sdelay $0x1  }
0x40: {  	v4 =	vmov s31  }
0x41: {  	v4 =	vshll.u32 v4, $0x7  }
0x42: {  	v4 =	vor.u32 v1, v4  }
0x43: {  	v3 =	vadd.s32 v4, v3;
	_ =	sdelay $0x4  }
0x44: {  	s17 =	simm.s32 $0x14C80;
	[tilespmem:v3+s12+$0x0] =	vst.idx.msk $0xffff, v2  }
0x45: {  	s18 =	simm.s32 $0x10;
	[tilespmem:s17+$0x0] =	vst v3  }
0x46: {  	v3 =	vld [tilespmem:s18+$0x0]  }
0x47: {  	s19 =	simm.s32 $0x20;
	s20 =	simm.s32 $0x10  }
.LBB2_4:
0x48: {  	p0 =	sne.s32 s19, $0x130;
	v4 =	vmov s18;
	s18 =	smov.u32 s19  }
0x49: {  	v4 =	vshll.u32 v4, $0x7  }
0x4a: {  	v4 =	vor.u32 v1, v4  }
0x4b: {  	v3 =	vadd.s32 v4, v3;
	_ =	sdelay $0x3  }
.Ltmp1:
0x4c: {  	(pc) =	sbr.rel @p0 .LBB2_4-.Ltmp1, $4  }
0x4d: {  	s17 =	sadd.s32 $0x10, s17;
	[tilespmem:v3+s12+$0x0] =	vst.idx.msk $0xffff, v2  }
0x4e: {  	s20 =	sadd.s32 $0x10, s20;
	[tilespmem:s17+$0x0] =	vst v3  }
0x4f: {  	v3 =	vld [tilespmem:s20+$0x0]  }
0x50: {  	s19 =	sadd.s32 $0x10, s19  }
0x51: {  	v4 =	vmov s18  }
0x52: {  	v4 =	vshll.u32 v4, $0x7  }
0x53: {  	v4 =	vor.u32 v1, v4  }
0x54: {  	v3 =	vadd.s32 v4, v3;
	_ =	sdelay $0x4  }
0x55: {  	s17 =	sadd.s32 $0x10, s17;
	[tilespmem:v3+s12+$0x0] =	vst.idx.msk $0xffff, v2  }
0x56: {  	s18 =	simm.s32 $0xAD20;
	[tilespmem:s17+$0x0] =	vst v3;
	s17 =	simm.s32 $0x0  }
0x57: {  	[hbm4b:s7+s17] =	stream.linear.scatter [tilespmem:s12], [sflag:$0x2], $0xA000, $0x38;
	[tilespmem:$0x14F80] =	vst v63  }
0x58: {  	[tilespmem:s18+$0xFFFFFFD0] =	vst v0  }
0x59: {  	[tilespmem:s18+$0xFFFFFFC0] =	vst v0  }
0x5a: {  	[tilespmem:s18+$0xFFFFFFB0] =	vst v0  }
0x5b: {  	[tilespmem:s18+$0xFFFFFFA0] =	vst v0  }
0x5c: {  	[tilespmem:s18+$0xFFFFFF90] =	vst v0  }
0x5d: {  	[tilespmem:s18+$0xFFFFFF80] =	vst v0  }
0x5e: {  	[tilespmem:s18+$0xFFFFFF70] =	vst v0  }
0x5f: {  	s19 =	sand.u32 $0xFFC0, s17;
	[tilespmem:s18+$0xFFFFFF60] =	vst v0  }
0x60: {  	[tilespmem:s19+$0xAD00] =	vst v0  }
0x61: {  	[tilespmem:s18+$0xFFFFFFF0] =	vst v0  }
0x62: {  	[tilespmem:s18+$0x0] =	vst v0  }
0x63: {  	[tilespmem:s18+$0x10] =	vst v0  }
0x64: {  	[tilespmem:s18+$0x20] =	vst v0  }
0x65: {  	[tilespmem:s18+$0x30] =	vst v0  }
0x66: {  	[tilespmem:s18+$0x40] =	vst v0  }
0x67: {  	[tilespmem:s18+$0x50] =	vst v0  }
0x68: {  	[tilespmem:s19+$0xAD80] =	vst v0;
	s19 =	simm.s32 $0x140  }
.LBB2_6:
0x69: {  	p0 =	sne.s32 s19, $0x9EC0;
	[tilespmem:s18+$0x90] =	vst v0  }
0x6a: {  	[tilespmem:s18+$0x80] =	vst v0  }
0x6b: {  	[tilespmem:s18+$0x70] =	vst v0;
	s18 =	sadd.s32 $0x140, s18  }
0x6c: {  	[tilespmem:s18+$0xFFFFFFD0] =	vst v0  }
0x6d: {  	[tilespmem:s18+$0xFFFFFFC0] =	vst v0  }
0x6e: {  	[tilespmem:s18+$0xFFFFFFB0] =	vst v0  }
0x6f: {  	[tilespmem:s18+$0xFFFFFFA0] =	vst v0  }
0x70: {  	[tilespmem:s18+$0xFFFFFF90] =	vst v0  }
0x71: {  	[tilespmem:s18+$0xFFFFFF80] =	vst v0  }
0x72: {  	[tilespmem:s18+$0xFFFFFF70] =	vst v0  }
0x73: {  	s20 =	sand.u32 $0xFFC0, s19;
	[tilespmem:s18+$0xFFFFFF60] =	vst v0  }
0x74: {  	[tilespmem:s20+$0xAD00] =	vst v0  }
0x75: {  	[tilespmem:s18+$0xFFFFFFF0] =	vst v0  }
0x76: {  	[tilespmem:s18+$0x0] =	vst v0  }
0x77: {  	[tilespmem:s18+$0x10] =	vst v0  }
.Ltmp2:
0x78: {  	[tilespmem:s18+$0x20] =	vst v0;
	(pc) =	sbr.rel @p0 .LBB2_6-.Ltmp2, $4  }
0x79: {  	[tilespmem:s18+$0x30] =	vst v0  }
0x7a: {  	[tilespmem:s18+$0x40] =	vst v0  }
0x7b: {  	[tilespmem:s18+$0x50] =	vst v0  }
0x7c: {  	s19 =	sadd.s32 $0x140, s19;
	[tilespmem:s20+$0xAD80] =	vst v0  }
0x7d: {  	[tilespmem:s18+$0x90] =	vst v0  }
0x7e: {  	[tilespmem:s18+$0x80] =	vst v0  }
0x7f: {  	[tilespmem:s18+$0x70] =	vst v0;
	s18 =	simm.s32 $0x140;
	s19 =	simm.s32 $0x280  }
.LBB2_8:
0x80: {  	p0 =	seq.s32 s17, $0x0  }
0x81: {  	s20 =	simm.s32 @!p0 $0x3  }
0x82: {  	_ =	swait.ge @!p0 [sflag:s20], $0xA000  }
0x83: {  	[sflag:s20] =	ssyncset.done @!p0 $0x0  }
0x84: {  	[sflag:s20] =	ssyncadd.s32 @!p0 $0xFFFF6000  }
0x85: {  	v3 =	vld @!p0 [tilespmem:$0x14E00];
	_ =	sdelay $0x6  }
0x86: {  	v4 =	vimm.f32 @!p0 $0.0e+00;
	s20 =	simm.s32 @!p0 $0xAC80  }
0x87: {  	[tilespmem:v3+s20+$0x0] =	vst.idx.msk @!p0 $0xffff, v4  }
0x88: {  	v3 =	vld @!p0 [tilespmem:$0x14E10];
	_ =	sdelay $0x7  }
0x89: {  	[tilespmem:v3+s20+$0x0] =	vst.idx.msk @!p0 $0xffff, v4  }
0x8a: {  	v3 =	vld @!p0 [tilespmem:$0x14E20];
	_ =	sdelay $0x7  }
0x8b: {  	[tilespmem:v3+s20+$0x0] =	vst.idx.msk @!p0 $0xffff, v4  }
0x8c: {  	v3 =	vld @!p0 [tilespmem:$0x14E30];
	_ =	sdelay $0x7  }
0x8d: {  	[tilespmem:v3+s20+$0x0] =	vst.idx.msk @!p0 $0xffff, v4  }
0x8e: {  	v3 =	vld @!p0 [tilespmem:$0x14E40];
	_ =	sdelay $0x7  }
0x8f: {  	[tilespmem:v3+s20+$0x0] =	vst.idx.msk @!p0 $0xffff, v4  }
0x90: {  	v3 =	vld @!p0 [tilespmem:$0x14E50];
	_ =	sdelay $0x7  }
0x91: {  	[tilespmem:v3+s20+$0x0] =	vst.idx.msk @!p0 $0xffff, v4  }
0x92: {  	v3 =	vld @!p0 [tilespmem:$0x14E60];
	_ =	sdelay $0x7  }
0x93: {  	[tilespmem:v3+s20+$0x0] =	vst.idx.msk @!p0 $0xffff, v4  }
0x94: {  	v3 =	vld @!p0 [tilespmem:$0x14E70];
	_ =	sdelay $0x7  }
0x95: {  	[tilespmem:v3+s20+$0x0] =	vst.idx.msk @!p0 $0xffff, v4  }
0x96: {  	v3 =	vld @!p0 [tilespmem:$0x14E80];
	_ =	sdelay $0x7  }
0x97: {  	[tilespmem:v3+s20+$0x0] =	vst.idx.msk @!p0 $0xffff, v4  }
0x98: {  	v3 =	vld @!p0 [tilespmem:$0x14E90];
	_ =	sdelay $0x7  }
0x99: {  	[tilespmem:v3+s20+$0x0] =	vst.idx.msk @!p0 $0xffff, v4  }
0x9a: {  	v3 =	vld @!p0 [tilespmem:$0x14EA0];
	_ =	sdelay $0x7  }
0x9b: {  	[tilespmem:v3+s20+$0x0] =	vst.idx.msk @!p0 $0xffff, v4  }
0x9c: {  	v3 =	vld @!p0 [tilespmem:$0x14EB0];
	_ =	sdelay $0x7  }
0x9d: {  	[tilespmem:v3+s20+$0x0] =	vst.idx.msk @!p0 $0xffff, v4  }
0x9e: {  	v3 =	vld @!p0 [tilespmem:$0x14EC0];
	_ =	sdelay $0x7  }
0x9f: {  	[tilespmem:v3+s20+$0x0] =	vst.idx.msk @!p0 $0xffff, v4  }
0xa0: {  	v3 =	vld @!p0 [tilespmem:$0x14ED0];
	_ =	sdelay $0x7  }
0xa1: {  	[tilespmem:v3+s20+$0x0] =	vst.idx.msk @!p0 $0xffff, v4  }
0xa2: {  	v3 =	vld @!p0 [tilespmem:$0x14EE0];
	_ =	sdelay $0x7  }
0xa3: {  	[tilespmem:v3+s20+$0x0] =	vst.idx.msk @!p0 $0xffff, v4  }
0xa4: {  	v3 =	vld @!p0 [tilespmem:$0x14EF0];
	_ =	sdelay $0x7  }
0xa5: {  	[tilespmem:v3+s20+$0x0] =	vst.idx.msk @!p0 $0xffff, v4  }
0xa6: {  	v3 =	vld @!p0 [tilespmem:$0x14F00];
	_ =	sdelay $0x7  }
0xa7: {  	[tilespmem:v3+s20+$0x0] =	vst.idx.msk @!p0 $0xffff, v4  }
0xa8: {  	v3 =	vld @!p0 [tilespmem:$0x14F10];
	_ =	sdelay $0x7  }
0xa9: {  	[tilespmem:v3+s20+$0x0] =	vst.idx.msk @!p0 $0xffff, v4  }
0xaa: {  	v3 =	vld @!p0 [tilespmem:$0x14F20];
	_ =	sdelay $0x7  }
0xab: {  	[tilespmem:v3+s20+$0x0] =	vst.idx.msk @!p0 $0xffff, v4  }
0xac: {  	v3 =	vld @!p0 [tilespmem:$0x14F30];
	_ =	sdelay $0x7  }
0xad: {  	[tilespmem:v3+s20+$0x0] =	vst.idx.msk @!p0 $0xffff, v4  }
0xae: {  	v3 =	vld [tilespmem:s18+$0x0]  }
0xaf: {  	s31 =	simm.s32 $0x0  }
0xb0: {  	v4 =	vmov s31  }
0xb1: {  	v4 =	vshll.u32 v4, $0x7  }
0xb2: {  	v4 =	vor.u32 v1, v4  }
0xb3: {  	v3 =	vadd.s32 v4, v3;
	_ =	sdelay $0x4  }
0xb4: {  	s21 =	simm.s32 $0x14E00;
	[tilespmem:v3+s13+$0x0] =	vst.idx.msk $0xffff, v2  }
0xb5: {  	s23 =	sadd.s32 $0x10, s18;
	s20 =	smul.u32 $0x280, s17;
	[tilespmem:s21+$0x0] =	vst v3  }
0xb6: {  	v3 =	vld [tilespmem:s23+$0x0]  }
0xb7: {  	s24 =	simm.s32 $0x10;
	s25 =	simm.s32 $0x20;
	s22 =	sadd.s32 $0x140, s20  }
.LBB2_9:
0xb8: {  	p0 =	sne.s32 s25, $0x130;
	v4 =	vmov s24;
	s24 =	smov.u32 s25  }
0xb9: {  	v4 =	vshll.u32 v4, $0x7  }
0xba: {  	v4 =	vor.u32 v1, v4  }
0xbb: {  	v3 =	vadd.s32 v4, v3;
	_ =	sdelay $0x3  }
.Ltmp3:
0xbc: {  	(pc) =	sbr.rel @p0 .LBB2_9-.Ltmp3, $4  }
0xbd: {  	s21 =	sadd.s32 $0x10, s21;
	[tilespmem:v3+s13+$0x0] =	vst.idx.msk $0xffff, v2  }
0xbe: {  	s23 =	sadd.s32 $0x10, s23;
	[tilespmem:s21+$0x0] =	vst v3  }
0xbf: {  	v3 =	vld [tilespmem:s23+$0x0]  }
0xc0: {  	s25 =	sadd.s32 $0x10, s25  }
0xc1: {  	v4 =	vmov s24  }
0xc2: {  	v4 =	vshll.u32 v4, $0x7  }
0xc3: {  	v4 =	vor.u32 v1, v4  }
0xc4: {  	v3 =	vadd.s32 v4, v3;
	_ =	sdelay $0x2  }
0xc5: {  	s22 =	sadd.s32 s4, s22  }
0xc6: {  	s22 =	sshll.u32 s22, $0x4  }
0xc7: {  	s21 =	sadd.s32 $0x10, s21;
	s22 =	sand.u32 $0x1FFFFF80, s22;
	[tilespmem:v3+s13+$0x0] =	vst.idx.msk $0xffff, v2  }
0xc8: {  	s29 =	simm.s32 $0x0;
	s28 =	sadd.s32 s2, s22;
	[tilespmem:s21+$0x0] =	vst v3  }
0xc9: {  	[hbm4b:s28+s29] =	stream.linear.scatter [tilespmem:s13], [sflag:$0x3], $0xA000, $0x38;
	[tilespmem:$0x14F80] =	vst v63  }
0xca: {  	_ =	swait.ge [sflag:s14], $0xA000  }
0xcb: {  	[sflag:s14] =	ssyncset.done $0x0  }
0xcc: {  	[sflag:s14] =	ssyncadd.s32 $0xFFFF6000  }
0xcd: {  	v3 =	vld [tilespmem:$0x14C80];
	_ =	sdelay $0x7  }
0xce: {  	[tilespmem:v3+s12+$0x0] =	vst.idx.msk $0xffff, v0  }
0xcf: {  	v3 =	vld [tilespmem:$0x14C90];
	_ =	sdelay $0x7  }
0xd0: {  	[tilespmem:v3+s12+$0x0] =	vst.idx.msk $0xffff, v0  }
0xd1: {  	v3 =	vld [tilespmem:$0x14CA0];
	_ =	sdelay $0x7  }
0xd2: {  	[tilespmem:v3+s12+$0x0] =	vst.idx.msk $0xffff, v0  }
0xd3: {  	v3 =	vld [tilespmem:$0x14CB0];
	_ =	sdelay $0x7  }
0xd4: {  	[tilespmem:v3+s12+$0x0] =	vst.idx.msk $0xffff, v0  }
0xd5: {  	v3 =	vld [tilespmem:$0x14CC0];
	_ =	sdelay $0x7  }
0xd6: {  	[tilespmem:v3+s12+$0x0] =	vst.idx.msk $0xffff, v0  }
0xd7: {  	v3 =	vld [tilespmem:$0x14CD0];
	_ =	sdelay $0x7  }
0xd8: {  	[tilespmem:v3+s12+$0x0] =	vst.idx.msk $0xffff, v0  }
0xd9: {  	v3 =	vld [tilespmem:$0x14CE0];
	_ =	sdelay $0x7  }
0xda: {  	[tilespmem:v3+s12+$0x0] =	vst.idx.msk $0xffff, v0  }
0xdb: {  	v3 =	vld [tilespmem:$0x14CF0];
	_ =	sdelay $0x7  }
0xdc: {  	[tilespmem:v3+s12+$0x0] =	vst.idx.msk $0xffff, v0  }
0xdd: {  	v3 =	vld [tilespmem:$0x14D00];
	_ =	sdelay $0x7  }
0xde: {  	[tilespmem:v3+s12+$0x0] =	vst.idx.msk $0xffff, v0  }
0xdf: {  	v3 =	vld [tilespmem:$0x14D10];
	_ =	sdelay $0x7  }
0xe0: {  	[tilespmem:v3+s12+$0x0] =	vst.idx.msk $0xffff, v0  }
0xe1: {  	v3 =	vld [tilespmem:$0x14D20];
	_ =	sdelay $0x7  }
0xe2: {  	[tilespmem:v3+s12+$0x0] =	vst.idx.msk $0xffff, v0  }
0xe3: {  	v3 =	vld [tilespmem:$0x14D30];
	_ =	sdelay $0x7  }
0xe4: {  	[tilespmem:v3+s12+$0x0] =	vst.idx.msk $0xffff, v0  }
0xe5: {  	v3 =	vld [tilespmem:$0x14D40];
	_ =	sdelay $0x7  }
0xe6: {  	[tilespmem:v3+s12+$0x0] =	vst.idx.msk $0xffff, v0  }
0xe7: {  	v3 =	vld [tilespmem:$0x14D50];
	_ =	sdelay $0x7  }
0xe8: {  	[tilespmem:v3+s12+$0x0] =	vst.idx.msk $0xffff, v0  }
0xe9: {  	v3 =	vld [tilespmem:$0x14D60];
	_ =	sdelay $0x7  }
0xea: {  	[tilespmem:v3+s12+$0x0] =	vst.idx.msk $0xffff, v0  }
0xeb: {  	v3 =	vld [tilespmem:$0x14D70];
	_ =	sdelay $0x7  }
0xec: {  	[tilespmem:v3+s12+$0x0] =	vst.idx.msk $0xffff, v0  }
0xed: {  	v3 =	vld [tilespmem:$0x14D80];
	_ =	sdelay $0x7  }
0xee: {  	[tilespmem:v3+s12+$0x0] =	vst.idx.msk $0xffff, v0  }
0xef: {  	v3 =	vld [tilespmem:$0x14D90];
	_ =	sdelay $0x7  }
0xf0: {  	[tilespmem:v3+s12+$0x0] =	vst.idx.msk $0xffff, v0  }
0xf1: {  	v3 =	vld [tilespmem:$0x14DA0];
	_ =	sdelay $0x7  }
0xf2: {  	[tilespmem:v3+s12+$0x0] =	vst.idx.msk $0xffff, v0  }
0xf3: {  	v3 =	vld [tilespmem:$0x14DB0];
	_ =	sdelay $0x5  }
0xf4: {  	s30 =	sadd.s32 $0x0, s19  }
0xf5: {  	s23 =	sand.u32 $0x70, s29;
	s21 =	sand.u32 $0x1F80, s30  }
0xf6: {  	s21 =	sor.u32 s23, s21;
	[tilespmem:v3+s12+$0x0] =	vst.idx.msk $0xffff, v0  }
0xf7: {  	v3 =	vld [tilespmem:s21+$0x0];
	_ =	sdelay $0x1  }
0xf8: {  	v4 =	vmov s29  }
0xf9: {  	v4 =	vshll.u32 v4, $0x7  }
0xfa: {  	v4 =	vor.u32 v1, v4  }
0xfb: {  	v3 =	vadd.s32 v4, v3;
	_ =	sdelay $0x2  }
0xfc: {  	s31 =	sadd.s32 $0x10, s19;
	s22 =	simm.s32 $0x10  }
0xfd: {  	s24 =	sand.u32 $0x1F80, s31;
	s25 =	sand.u32 $0x70, s22  }
0xfe: {  	s23 =	simm.s32 $0x20;
	s21 =	sadd.s32 $0x280, s20;
	s20 =	simm.s32 $0x14C80;
	[tilespmem:v3+s12+$0x0] =	vst.idx.msk $0xffff, v2  }
.LBB2_11:
0xff: {  	p0 =	sne.s32 s23, $0x130;
	s24 =	sor.u32 s25, s24;
	[tilespmem:s20+$0x0] =	vst v3  }
0x100: {  	v3 =	vld [tilespmem:s24+$0x0];
	_ =	sdelay $0x1  }
0x101: {  	v4 =	vmov s22;
	s22 =	smov.u32 s23  }
0x102: {  	v4 =	vshll.u32 v4, $0x7  }
0x103: {  	v4 =	vor.u32 v1, v4  }
0x104: {  	v3 =	vadd.s32 v4, v3  }
.Ltmp4:
0x105: {  	(pc) =	sbr.rel @p0 .LBB2_11-.Ltmp4, $3  }
0x106: {  	_ =	sdelay $0x1  }
0x107: {  	s20 =	sadd.s32 $0x10, s20;
	s24 =	sadd.s32 s23, s19  }
0x108: {  	s25 =	sand.u32 $0x70, s22;
	s23 =	sadd.s32 $0x10, s23;
	s24 =	sand.u32 $0x1F80, s24;
	[tilespmem:v3+s12+$0x0] =	vst.idx.msk $0xffff, v2  }
0x109: {  	s23 =	sor.u32 s25, s24;
	[tilespmem:s20+$0x0] =	vst v3  }
0x10a: {  	v3 =	vld [tilespmem:s23+$0x0];
	_ =	sdelay $0x1  }
0x10b: {  	v4 =	vmov s22  }
0x10c: {  	v4 =	vshll.u32 v4, $0x7  }
0x10d: {  	v4 =	vor.u32 v1, v4  }
0x10e: {  	v3 =	vadd.s32 v4, v3  }
0x10f: {  	s17 =	sadd.s32 $0x1, s17  }
0x110: {  	p0 =	sne.s32 s17, $0x4  }
.Ltmp5:
0x111: {  	s21 =	sadd.s32 s4, s21;
	(pc) =	sbr.rel @p0 .LBB2_8-.Ltmp5, $4  }
0x112: {  	s21 =	sshll.u32 s21, $0x4  }
0x113: {  	s30 =	sadd.s32 $0x10, s20;
	s21 =	sand.u32 $0x1FFFFF80, s21;
	[tilespmem:v3+s12+$0x0] =	vst.idx.msk $0xffff, v2  }
0x114: {  	s18 =	sadd.s32 $0x280, s18;
	s19 =	sadd.s32 $0x280, s19;
	s31 =	sadd.s32 s2, s21;
	[tilespmem:s30+$0x0] =	vst v3  }
0x115: {  	[hbm4b:s31+s3] =	stream.linear.scatter [tilespmem:s12], [sflag:$0x2], $0xA000, $0x38;
	[tilespmem:$0x14F80] =	vst v63  }
0x116: {  	_ =	swait.ge [sflag:s15], $0xA000  }
0x117: {  	[sflag:s15] =	ssyncset.done $0x0  }
0x118: {  	[sflag:s15] =	ssyncadd.s32 $0xFFFF6000  }
0x119: {  	v3 =	vld [tilespmem:$0x14E00];
	_ =	sdelay $0x7  }
0x11a: {  	[tilespmem:v3+s13+$0x0] =	vst.idx.msk $0xffff, v0  }
0x11b: {  	v3 =	vld [tilespmem:$0x14E10];
	_ =	sdelay $0x7  }
0x11c: {  	[tilespmem:v3+s13+$0x0] =	vst.idx.msk $0xffff, v0  }
0x11d: {  	v3 =	vld [tilespmem:$0x14E20];
	_ =	sdelay $0x7  }
0x11e: {  	[tilespmem:v3+s13+$0x0] =	vst.idx.msk $0xffff, v0  }
0x11f: {  	v3 =	vld [tilespmem:$0x14E30];
	_ =	sdelay $0x7  }
0x120: {  	[tilespmem:v3+s13+$0x0] =	vst.idx.msk $0xffff, v0  }
0x121: {  	v3 =	vld [tilespmem:$0x14E40];
	_ =	sdelay $0x7  }
0x122: {  	[tilespmem:v3+s13+$0x0] =	vst.idx.msk $0xffff, v0  }
0x123: {  	v3 =	vld [tilespmem:$0x14E50];
	_ =	sdelay $0x7  }
0x124: {  	[tilespmem:v3+s13+$0x0] =	vst.idx.msk $0xffff, v0  }
0x125: {  	v3 =	vld [tilespmem:$0x14E60];
	_ =	sdelay $0x7  }
0x126: {  	[tilespmem:v3+s13+$0x0] =	vst.idx.msk $0xffff, v0  }
0x127: {  	v3 =	vld [tilespmem:$0x14E70];
	_ =	sdelay $0x7  }
0x128: {  	[tilespmem:v3+s13+$0x0] =	vst.idx.msk $0xffff, v0  }
0x129: {  	v3 =	vld [tilespmem:$0x14E80];
	_ =	sdelay $0x7  }
0x12a: {  	[tilespmem:v3+s13+$0x0] =	vst.idx.msk $0xffff, v0  }
0x12b: {  	v3 =	vld [tilespmem:$0x14E90];
	_ =	sdelay $0x7  }
0x12c: {  	[tilespmem:v3+s13+$0x0] =	vst.idx.msk $0xffff, v0  }
0x12d: {  	v3 =	vld [tilespmem:$0x14EA0];
	_ =	sdelay $0x7  }
0x12e: {  	[tilespmem:v3+s13+$0x0] =	vst.idx.msk $0xffff, v0  }
0x12f: {  	v3 =	vld [tilespmem:$0x14EB0];
	_ =	sdelay $0x7  }
0x130: {  	[tilespmem:v3+s13+$0x0] =	vst.idx.msk $0xffff, v0  }
0x131: {  	v3 =	vld [tilespmem:$0x14EC0];
	_ =	sdelay $0x7  }
0x132: {  	[tilespmem:v3+s13+$0x0] =	vst.idx.msk $0xffff, v0  }
0x133: {  	v3 =	vld [tilespmem:$0x14ED0];
	_ =	sdelay $0x7  }
0x134: {  	[tilespmem:v3+s13+$0x0] =	vst.idx.msk $0xffff, v0  }
0x135: {  	v3 =	vld [tilespmem:$0x14EE0];
	_ =	sdelay $0x7  }
0x136: {  	[tilespmem:v3+s13+$0x0] =	vst.idx.msk $0xffff, v0  }
0x137: {  	v3 =	vld [tilespmem:$0x14EF0];
	_ =	sdelay $0x7  }
0x138: {  	[tilespmem:v3+s13+$0x0] =	vst.idx.msk $0xffff, v0  }
0x139: {  	v3 =	vld [tilespmem:$0x14F00];
	_ =	sdelay $0x7  }
0x13a: {  	[tilespmem:v3+s13+$0x0] =	vst.idx.msk $0xffff, v0  }
0x13b: {  	v3 =	vld [tilespmem:$0x14F10];
	_ =	sdelay $0x7  }
0x13c: {  	[tilespmem:v3+s13+$0x0] =	vst.idx.msk $0xffff, v0  }
0x13d: {  	v3 =	vld [tilespmem:$0x14F20];
	_ =	sdelay $0x7  }
0x13e: {  	[tilespmem:v3+s13+$0x0] =	vst.idx.msk $0xffff, v0  }
0x13f: {  	v3 =	vld [tilespmem:$0x14F30];
	_ =	sdelay $0x7  }
0x140: {  	s17 =	simm.s32 $0xB40;
	[tilespmem:v3+s13+$0x0] =	vst.idx.msk $0xffff, v0  }
0x141: {  	v3 =	vld [tilespmem:s17+$0x0]  }
0x142: {  	s31 =	simm.s32 $0x0  }
0x143: {  	v4 =	vmov s31  }
0x144: {  	v4 =	vshll.u32 v4, $0x7  }
0x145: {  	v4 =	vor.u32 v1, v4  }
0x146: {  	v3 =	vadd.s32 v4, v3;
	_ =	sdelay $0x4  }
0x147: {  	s17 =	simm.s32 $0x14E00;
	[tilespmem:v3+s13+$0x0] =	vst.idx.msk $0xffff, v2  }
0x148: {  	s18 =	simm.s32 $0xB50;
	[tilespmem:s17+$0x0] =	vst v3  }
0x149: {  	v3 =	vld [tilespmem:s18+$0x0]  }
0x14a: {  	s19 =	simm.s32 $0x10;
	s20 =	simm.s32 $0x20  }
.LBB2_14:
0x14b: {  	p0 =	sne.s32 s20, $0xF0;
	v4 =	vmov s19;
	s19 =	smov.u32 s20  }
0x14c: {  	v4 =	vshll.u32 v4, $0x7  }
0x14d: {  	v4 =	vor.u32 v1, v4  }
0x14e: {  	v3 =	vadd.s32 v4, v3;
	_ =	sdelay $0x3  }
.Ltmp6:
0x14f: {  	(pc) =	sbr.rel @p0 .LBB2_14-.Ltmp6, $4  }
0x150: {  	s17 =	sadd.s32 $0x10, s17;
	[tilespmem:v3+s13+$0x0] =	vst.idx.msk $0xffff, v2  }
0x151: {  	s18 =	sadd.s32 $0x10, s18;
	[tilespmem:s17+$0x0] =	vst v3  }
0x152: {  	v3 =	vld [tilespmem:s18+$0x0]  }
0x153: {  	s20 =	sadd.s32 $0x10, s20  }
0x154: {  	v4 =	vmov s19  }
0x155: {  	v4 =	vshll.u32 v4, $0x7  }
0x156: {  	v4 =	vor.u32 v1, v4  }
0x157: {  	v3 =	vadd.s32 v4, v3;
	_ =	sdelay $0x4  }
0x158: {  	s17 =	sadd.s32 $0x10, s17;
	[tilespmem:v3+s13+$0x0] =	vst.idx.msk $0xffff, v2  }
0x159: {  	s16 =	sadd.s32 $0x1, s16;
	[tilespmem:s17+$0x0] =	vst v3  }
0x15a: {  	[hbm4b:s8+s3] =	stream.linear.scatter [tilespmem:s13], [sflag:$0x3], $0x8000, $0x38;
	[tilespmem:$0x14F80] =	vst v63  }
0x15b: {  	p0 =	sne.s32 s16, s9;
	_ =	swait.ge [sflag:s14], $0xA000  }
.Ltmp7:
0x15c: {  	[sflag:s14] =	ssyncset.done $0x0;
	(pc) =	sbr.rel @p0 .LBB2_1-.Ltmp7, $4  }
0x15d: {  	[sflag:s14] =	ssyncadd.s32 $0xFFFF6000  }
0x15e: {  	_ =	swait.ge [sflag:s15], $0x8000  }
0x15f: {  	[sflag:s15] =	ssyncset.done $0x0  }
0x160: {  	[sflag:s15] =	ssyncadd.s32 $0xFFFF8000  }
0x161: {  	_ =	sfence.sel $0x180000  }
0x162: {  	[bflag:$0x0] =	sbarrier.arrive $0xFFFF  }
0x163: {  	p0 =	sne.s32 s0, $0x0;
	_ =	strace $0x90000047  }
0x164: {  	s0 =	sadd.s32 @!p0 $0x100000, s1;
	[bflag:$0x2] =	sbarrier.arrive $0xFFFF  }
0x165: {  	[sflag:s0] =	ssyncadd.tile.s32 @!p0 $0x1;
	_ =	shalt  }
.Lfunc_end2:
_tile_overlayer_lowered:
.L_overlay_start_2:
0x166: {  	(tag) =	ssettag $0x2  }
0x167: {  	s0 =	rddreg [dreg:$0x0];
	s2 =	stileid.u32  }
0x168: {  	s1 =	rddreg [dreg:$0x1];
	p0 =	sne.s32 s2, $0x0  }
0x169: {  	s3 =	rddreg [dreg:$0x2];
	[bflag:$0x3] =	sbarrier.arrive $0xFFFF;
	s2 =	simm.s32 @!p0 $0x1C04  }
0x16a: {  	[timem:s3], [sflag:s2] =	dma.local @!p0 [hbm:s0], s1  }
0x16b: {  	s0 =	simm.s32 @!p0 $0x4  }
0x16c: {  	_ =	swait.ge @!p0 [sflag:s0], s1  }
0x16d: {  	s1 =	ssub.s32 @!p0 $0x0, s1;
	[sflag:s0] =	ssyncset.done @!p0 $0x0  }
0x16e: {  	[sflag:s0] =	ssyncadd.s32 @!p0 s1  }
0x16f: {  	[bflag:$0x3] =	sbarrier.arrive $0xFFFF  }
0x170: {  	_ =	shalt  }

</sc_bundles>
